<compile_context>
chip_gen: v7x
topology: tpu7x:2x2x1
jax: 0.10.2.dev20260603
libtpu: 0.0.44.dev20260713+nightly
codegen_flags: <defaults>
</compile_context>

<pallas_src>
import functools

import jax
import jax.numpy as jnp
import numpy as np
from jax import lax
from jax.experimental import pallas as pl
from jax.experimental.pallas import tpu as pltpu
from jax.experimental.pallas import tpu_sc as plsc

B = 16384
NBITS = 32
D = 128
G = 4
GB = 8
LUT_ROWS = G * (1 << GB)
LUT_I32 = LUT_ROWS * (D // 2)
NW = 32
RPW = B // NW
CHUNK = 64
SPW = D // 2


def _bit_constants():
    k = np.arange(1 << GB)
    bits = (k[:, None] >> np.arange(GB)[None, :]) & 1
    m0 = np.zeros((LUT_ROWS, NBITS), np.float32)
    m1 = np.zeros((LUT_ROWS, NBITS), np.float32)
    for g in range(G):
        m1[g * 256:(g + 1) * 256, g * GB:(g + 1) * GB] = bits
        m0[g * 256:(g + 1) * 256, g * GB:(g + 1) * GB] = 1 - bits
    wt = np.zeros((G, NBITS), np.float32)
    for g in range(G):
        wt[g, g * GB:(g + 1) * GB] = 2.0 ** np.arange(GB)
    return m0, m1, wt


_M0, _M1, _WT = _bit_constants()


def _prep_body(xt_ref, t_ref, m0_ref, m1_ref, wt_ref, gidx_ref, lut_ref):
    xf = xt_ref[...].astype(jnp.float32)
    k = lax.dot_general(wt_ref[...], xf, (((1,), (0,)), ((), ())),
                        preferred_element_type=jnp.float32)
    goff = lax.broadcasted_iota(jnp.int32, (G, 1), 0) * 256
    gidx_ref[...] = k.astype(jnp.int32) + goff
    t0 = t_ref[:, 0, :]
    t1 = t_ref[:, 1, :]
    lutT = (lax.dot_general(t0, m0_ref[...], (((0,), (1,)), ((), ())),
                            preferred_element_type=jnp.float32)
            + lax.dot_general(t1, m1_ref[...], (((0,), (1,)), ((), ())),
                              preferred_element_type=jnp.float32))
    lutT16 = lutT.astype(jnp.bfloat16).reshape(2, D // 2, LUT_ROWS)
    ev = lax.bitcast_convert_type(lutT16[0], jnp.uint16).astype(jnp.uint32)
    od = lax.bitcast_convert_type(lutT16[1], jnp.uint16).astype(jnp.uint32)
    lut_ref[...] = lax.bitcast_convert_type(ev | (od << 16), jnp.int32)


def _prep(x, tables):
    return pl.pallas_call(
        _prep_body,
        out_shape=(jax.ShapeDtypeStruct((G, B), jnp.int32),
                   jax.ShapeDtypeStruct((D // 2, LUT_ROWS), jnp.int32)),
    )(x.T, tables, _M0, _M1, _WT)


@functools.lru_cache(maxsize=None)
def _build_sc(interpret=False):
    mesh = plsc.VectorSubcoreMesh(core_axis_name="c", subcore_axis_name="s",
                                  num_cores=2, num_subcores=16)

    @functools.partial(
        pl.kernel, mesh=mesh, interpret=interpret,
        compiler_params=pltpu.CompilerParams(needs_layout_passes=False),
        out_type=jax.ShapeDtypeStruct((B, D), jnp.float32),
        scratch_types=[
            pltpu.VMEM((LUT_I32,), jnp.int32),
            pltpu.VMEM((G, RPW), jnp.int32),
            pltpu.VMEM((16 * SPW,), jnp.int32),
            pltpu.VMEM((2 * CHUNK, D), jnp.float32),
            pltpu.SemaphoreType.DMA,
            pltpu.SemaphoreType.DMA,
        ],
    )
    def sc_lookup(lut_hbm, gidx_hbm, out_hbm, lut_v, gidx_v, pair_v, stage_v,
                  sem0, sem1):
        wid = lax.axis_index("s") * 2 + lax.axis_index("c")
        base = wid * RPW
        pltpu.sync_copy(lut_hbm, lut_v)
        for g in range(G):
            pltpu.sync_copy(gidx_hbm.at[g, pl.ds(base, RPW)], gidx_v.at[g])

        lane = lax.iota(jnp.int32, 16)
        lane16 = lane * 16

        def group_body(j, _):
            buf = (j >> 2) & 1
            half = j & 3

            @pl.when(jnp.logical_and(j >= 8, half == 0))
            def _():
                @pl.when(buf == 0)
                def _():
                    pltpu.make_async_copy(
                        stage_v.at[pl.ds(0, CHUNK), pl.ds(0, D)],
                        out_hbm.at[pl.ds(0, CHUNK)], sem0).wait()

                @pl.when(buf == 1)
                def _():
                    pltpu.make_async_copy(
                        stage_v.at[pl.ds(CHUNK, CHUNK), pl.ds(0, D)],
                        out_hbm.at[pl.ds(0, CHUNK)], sem1).wait()

            r = [gidx_v[g, pl.ds(j * 16, 16)] for g in range(G)]

            @plsc.parallel_loop(0, D // 2, 1, unroll=2)
            def _(p):
                lut_p = lut_v.at[pl.ds(p * LUT_ROWS, LUT_ROWS)]
                v0 = plsc.bitcast(plsc.load_gather(lut_p, [r[0]]), jnp.bfloat16)
                v1 = plsc.bitcast(plsc.load_gather(lut_p, [r[1]]), jnp.bfloat16)
                v2 = plsc.bitcast(plsc.load_gather(lut_p, [r[2]]), jnp.bfloat16)
                v3 = plsc.bitcast(plsc.load_gather(lut_p, [r[3]]), jnp.bfloat16)
                acc = (v0 + v1) + (v2 + v3)
                pair_v[pl.ds(p * 16, 16)] = plsc.bitcast(acc, jnp.int32)

            srow0 = buf * CHUNK + half * 16

            def conv_body(q, _):
                row = q >> 2
                seg = q & 3
                idx = lane16 + (seg * 256 + row)
                pr = plsc.bitcast(plsc.load_gather(pair_v, [idx]), jnp.bfloat16)
                lo, hi = plsc.unpack(pr, format=plsc.PackFormat.INTERLEAVED)
                stage_v[srow0 + row, pl.ds(seg * 16, 16)] = lo
                stage_v[srow0 + row, pl.ds(seg * 16 + D // 2, 16)] = hi
                return 0

            lax.fori_loop(0, 64, conv_body, 0, unroll=2)

            @pl.when(half == 3)
            def _():
                row0 = base + (j >> 2) * CHUNK

                @pl.when(buf == 0)
                def _():
                    pltpu.async_copy(stage_v.at[pl.ds(0, CHUNK), pl.ds(0, D)],
                                     out_hbm.at[pl.ds(row0, CHUNK)], sem0)

                @pl.when(buf == 1)
                def _():
                    pltpu.async_copy(stage_v.at[pl.ds(CHUNK, CHUNK), pl.ds(0, D)],
                                     out_hbm.at[pl.ds(row0, CHUNK)], sem1)

            return 0

        lax.fori_loop(0, RPW // 16, group_body, 0)
        pltpu.make_async_copy(stage_v.at[pl.ds(0, CHUNK), pl.ds(0, D)],
                              out_hbm.at[pl.ds(0, CHUNK)], sem0).wait()
        pltpu.make_async_copy(stage_v.at[pl.ds(CHUNK, CHUNK), pl.ds(0, D)],
                              out_hbm.at[pl.ds(0, CHUNK)], sem1).wait()

    return sc_lookup


def kernel(x, tables):
    gidxs, lut_t = _prep(x, tables)
    return _build_sc()(lut_t.reshape(LUT_I32), gidxs)

# --- scband reference (transcript-rebuilt; emitter-appended) ---
"""Pipeline reference for scband-bitwise-embedding-4887672783408 (READ-ONLY COPY).

The authoritative reference and input builder live on the scoring server;
editing this copy changes nothing except your own understanding.
"""

import jax, jax.numpy as jnp
import numpy as np

NUM_BITS = 32
EMB_DIM = 128
BATCH = 16384


def setup_inputs(seed: int = 0) -> dict:
    key = jax.random.key(seed)
    k1, k2 = jax.random.split(key)
    # bit indices in {0, 1}
    x = jax.random.randint(k1, (BATCH, NUM_BITS), 0, 2)
    # one Embedding(2, emb_dim) per bit, stacked: [num_bits, 2, emb_dim]
    tables = jax.random.normal(k2, (NUM_BITS, 2, EMB_DIM), dtype=jnp.float32)
    return {"x": x, "tables": tables}


def reference(x, tables):
    # torch: xs = [emb(b) for emb, b in zip(self.embs, x.t())]; stack(dim=0).sum(0)
    xt = x.T  # [num_bits, batch]
    # gather per-bit embedding rows: result [num_bits, batch, emb_dim]
    gathered = jnp.take_along_axis(tables, xt[:, :, None], axis=1)
    return gathered.sum(axis=0)  # [batch, emb_dim]

if __name__ == "__main__":
    import jax
    _d = setup_inputs()
    print(jax.jit(kernel)(*tuple(_d.values())))

</pallas_src>

<mosaic_0001>
#map = affine_map<(d0, d1) -> (0)>
#map1 = affine_map<(d0, d1) -> (0, 0)>
module attributes {stable_mosaic.version = 14 : i64} {
  func.func @sc_lookup(%arg0: i32, %arg1: i32, %arg2: memref<65536xi32, #tpu.memory_space<hbm>>, %arg3: memref<4x16384xi32, #tpu.memory_space<hbm>>, %arg4: memref<16384x128xf32, #tpu.memory_space<hbm>>, %arg5: memref<65536xi32, #tpu.memory_space<vmem>>, %arg6: memref<4x512xi32, #tpu.memory_space<vmem>>, %arg7: memref<1024xi32, #tpu.memory_space<vmem>>, %arg8: memref<128x128xf32, #tpu.memory_space<vmem>>, %arg9: memref<!tpu.dma_semaphore, #tpu.memory_space<semaphore_mem>>, %arg10: memref<!tpu.dma_semaphore, #tpu.memory_space<semaphore_mem>>) attributes {dimension_semantics = [#tpu.dimension_semantics<core_parallel>, #tpu.dimension_semantics<subcore_parallel>], iteration_bounds = array<i64: 2, 16>, scalar_prefetch = 0 : i64, scratch_operands = 6 : i64, tpu.core_type = #tpu.core_type<sc_vector_subcore>, window_params = [{transform_indices = #map}, {transform_indices = #map1}, {transform_indices = #map1}]} {
    %mul3A = arith.constant 2 : i32
    %mul3A_0 = arith.muli %arg1, %mul3A : i32
    %add3A = arith.addi %mul3A_0, %arg0 : i32
    %mul3A_1 = arith.constant 512 : i32
    %mul3A_2 = arith.muli %add3A, %mul3A_1 : i32
    "tpu.region"() ({
      %run_scoped3A_42 = tpu.sem_alloc : memref<!tpu.dma_semaphore, #tpu.memory_space<semaphore_mem>>
      tpu.enqueue_dma source(%arg2 : memref<65536xi32, #tpu.memory_space<hbm>>) target(%arg5 : memref<65536xi32, #tpu.memory_space<vmem>>) target_semaphore(%run_scoped3A_42 : memref<!tpu.dma_semaphore, #tpu.memory_space<semaphore_mem>>)
      tpu.wait_dma2 semaphore(%run_scoped3A_42 : memref<!tpu.dma_semaphore, #tpu.memory_space<semaphore_mem>>) src(%arg2 : memref<65536xi32, #tpu.memory_space<hbm>>) dst(%arg5 : memref<65536xi32, #tpu.memory_space<vmem>>)
      tpu.yield
    }) : () -> ()
    %run_scoped3A = arith.constant 0 : i32
    %run_scoped3A_3 = arith.constant 0 : i32
    "tpu.region"() ({
      %run_scoped3A_42 = tpu.sem_alloc : memref<!tpu.dma_semaphore, #tpu.memory_space<semaphore_mem>>
      %dma_start3A = arith.constant 0 : i32
      %dma_start3A_43 = tpu.memref_slice %arg6[%run_scoped3A_3, %dma_start3A] : memref<4x512xi32, #tpu.memory_space<vmem>> -> memref<1x512xi32, #tpu.memory_space<vmem>>
      %dma_start3A_44 = tpu.memref_squeeze %dma_start3A_43 : memref<1x512xi32, #tpu.memory_space<vmem>> -> memref<512xi32, #tpu.memory_space<vmem>>
      %dma_start3A_45 = tpu.memref_slice %arg3[%run_scoped3A, %mul3A_2] : memref<4x16384xi32, #tpu.memory_space<hbm>> -> memref<1x512xi32, #tpu.memory_space<hbm>>
      %dma_start3A_46 = tpu.memref_squeeze %dma_start3A_45 : memref<1x512xi32, #tpu.memory_space<hbm>> -> memref<512xi32, #tpu.memory_space<hbm>>
      %dma_start3A_47 = arith.constant 0 : i32
      %dma_start3A_48 = tpu.memref_slice %arg6[%run_scoped3A_3, %dma_start3A_47] : memref<4x512xi32, #tpu.memory_space<vmem>> -> memref<1x512xi32, #tpu.memory_space<vmem>>
      %dma_start3A_49 = tpu.memref_squeeze %dma_start3A_48 : memref<1x512xi32, #tpu.memory_space<vmem>> -> memref<512xi32, #tpu.memory_space<vmem>>
      %dma_start3A_50 = tpu.memref_slice %arg3[%run_scoped3A, %mul3A_2] : memref<4x16384xi32, #tpu.memory_space<hbm>> -> memref<1x512xi32, #tpu.memory_space<hbm>>
      %dma_start3A_51 = tpu.memref_squeeze %dma_start3A_50 : memref<1x512xi32, #tpu.memory_space<hbm>> -> memref<512xi32, #tpu.memory_space<hbm>>
      tpu.enqueue_dma source(%dma_start3A_51 : memref<512xi32, #tpu.memory_space<hbm>>) target(%dma_start3A_49 : memref<512xi32, #tpu.memory_space<vmem>>) target_semaphore(%run_scoped3A_42 : memref<!tpu.dma_semaphore, #tpu.memory_space<semaphore_mem>>)
      %dma_wait3A_52 = arith.constant 0 : i32
      %dma_wait3A_53 = tpu.memref_slice %arg6[%run_scoped3A_3, %dma_wait3A_52] : memref<4x512xi32, #tpu.memory_space<vmem>> -> memref<1x512xi32, #tpu.memory_space<vmem>>
      %dma_wait3A_54 = tpu.memref_squeeze %dma_wait3A_53 : memref<1x512xi32, #tpu.memory_space<vmem>> -> memref<512xi32, #tpu.memory_space<vmem>>
      %dma_wait3A_55 = tpu.memref_slice %arg3[%run_scoped3A, %mul3A_2] : memref<4x16384xi32, #tpu.memory_space<hbm>> -> memref<1x512xi32, #tpu.memory_space<hbm>>
      %dma_wait3A_56 = tpu.memref_squeeze %dma_wait3A_55 : memref<1x512xi32, #tpu.memory_space<hbm>> -> memref<512xi32, #tpu.memory_space<hbm>>
      %dma_wait3A_57 = arith.constant 0 : i32
      %dma_wait3A_58 = tpu.memref_slice %arg6[%run_scoped3A_3, %dma_wait3A_57] : memref<4x512xi32, #tpu.memory_space<vmem>> -> memref<1x512xi32, #tpu.memory_space<vmem>>
      %dma_wait3A_59 = tpu.memref_squeeze %dma_wait3A_58 : memref<1x512xi32, #tpu.memory_space<vmem>> -> memref<512xi32, #tpu.memory_space<vmem>>
      %dma_wait3A_60 = tpu.memref_slice %arg3[%run_scoped3A, %mul3A_2] : memref<4x16384xi32, #tpu.memory_space<hbm>> -> memref<1x512xi32, #tpu.memory_space<hbm>>
      %dma_wait3A_61 = tpu.memref_squeeze %dma_wait3A_60 : memref<1x512xi32, #tpu.memory_space<hbm>> -> memref<512xi32, #tpu.memory_space<hbm>>
      tpu.wait_dma2 semaphore(%run_scoped3A_42 : memref<!tpu.dma_semaphore, #tpu.memory_space<semaphore_mem>>) src(%dma_wait3A_61 : memref<512xi32, #tpu.memory_space<hbm>>) dst(%dma_wait3A_59 : memref<512xi32, #tpu.memory_space<vmem>>)
      tpu.yield
    }) : () -> ()
    %run_scoped3A_4 = arith.constant 1 : i32
    %run_scoped3A_5 = arith.constant 1 : i32
    "tpu.region"() ({
      %run_scoped3A_42 = tpu.sem_alloc : memref<!tpu.dma_semaphore, #tpu.memory_space<semaphore_mem>>
      %dma_start3A = arith.constant 0 : i32
      %dma_start3A_43 = tpu.memref_slice %arg6[%run_scoped3A_5, %dma_start3A] : memref<4x512xi32, #tpu.memory_space<vmem>> -> memref<1x512xi32, #tpu.memory_space<vmem>>
      %dma_start3A_44 = tpu.memref_squeeze %dma_start3A_43 : memref<1x512xi32, #tpu.memory_space<vmem>> -> memref<512xi32, #tpu.memory_space<vmem>>
      %dma_start3A_45 = tpu.memref_slice %arg3[%run_scoped3A_4, %mul3A_2] : memref<4x16384xi32, #tpu.memory_space<hbm>> -> memref<1x512xi32, #tpu.memory_space<hbm>>
      %dma_start3A_46 = tpu.memref_squeeze %dma_start3A_45 : memref<1x512xi32, #tpu.memory_space<hbm>> -> memref<512xi32, #tpu.memory_space<hbm>>
      %dma_start3A_47 = arith.constant 0 : i32
      %dma_start3A_48 = tpu.memref_slice %arg6[%run_scoped3A_5, %dma_start3A_47] : memref<4x512xi32, #tpu.memory_space<vmem>> -> memref<1x512xi32, #tpu.memory_space<vmem>>
      %dma_start3A_49 = tpu.memref_squeeze %dma_start3A_48 : memref<1x512xi32, #tpu.memory_space<vmem>> -> memref<512xi32, #tpu.memory_space<vmem>>
      %dma_start3A_50 = tpu.memref_slice %arg3[%run_scoped3A_4, %mul3A_2] : memref<4x16384xi32, #tpu.memory_space<hbm>> -> memref<1x512xi32, #tpu.memory_space<hbm>>
      %dma_start3A_51 = tpu.memref_squeeze %dma_start3A_50 : memref<1x512xi32, #tpu.memory_space<hbm>> -> memref<512xi32, #tpu.memory_space<hbm>>
      tpu.enqueue_dma source(%dma_start3A_51 : memref<512xi32, #tpu.memory_space<hbm>>) target(%dma_start3A_49 : memref<512xi32, #tpu.memory_space<vmem>>) target_semaphore(%run_scoped3A_42 : memref<!tpu.dma_semaphore, #tpu.memory_space<semaphore_mem>>)
      %dma_wait3A_52 = arith.constant 0 : i32
      %dma_wait3A_53 = tpu.memref_slice %arg6[%run_scoped3A_5, %dma_wait3A_52] : memref<4x512xi32, #tpu.memory_space<vmem>> -> memref<1x512xi32, #tpu.memory_space<vmem>>
      %dma_wait3A_54 = tpu.memref_squeeze %dma_wait3A_53 : memref<1x512xi32, #tpu.memory_space<vmem>> -> memref<512xi32, #tpu.memory_space<vmem>>
      %dma_wait3A_55 = tpu.memref_slice %arg3[%run_scoped3A_4, %mul3A_2] : memref<4x16384xi32, #tpu.memory_space<hbm>> -> memref<1x512xi32, #tpu.memory_space<hbm>>
      %dma_wait3A_56 = tpu.memref_squeeze %dma_wait3A_55 : memref<1x512xi32, #tpu.memory_space<hbm>> -> memref<512xi32, #tpu.memory_space<hbm>>
      %dma_wait3A_57 = arith.constant 0 : i32
      %dma_wait3A_58 = tpu.memref_slice %arg6[%run_scoped3A_5, %dma_wait3A_57] : memref<4x512xi32, #tpu.memory_space<vmem>> -> memref<1x512xi32, #tpu.memory_space<vmem>>
      %dma_wait3A_59 = tpu.memref_squeeze %dma_wait3A_58 : memref<1x512xi32, #tpu.memory_space<vmem>> -> memref<512xi32, #tpu.memory_space<vmem>>
      %dma_wait3A_60 = tpu.memref_slice %arg3[%run_scoped3A_4, %mul3A_2] : memref<4x16384xi32, #tpu.memory_space<hbm>> -> memref<1x512xi32, #tpu.memory_space<hbm>>
      %dma_wait3A_61 = tpu.memref_squeeze %dma_wait3A_60 : memref<1x512xi32, #tpu.memory_space<hbm>> -> memref<512xi32, #tpu.memory_space<hbm>>
      tpu.wait_dma2 semaphore(%run_scoped3A_42 : memref<!tpu.dma_semaphore, #tpu.memory_space<semaphore_mem>>) src(%dma_wait3A_61 : memref<512xi32, #tpu.memory_space<hbm>>) dst(%dma_wait3A_59 : memref<512xi32, #tpu.memory_space<vmem>>)
      tpu.yield
    }) : () -> ()
    %run_scoped3A_6 = arith.constant 2 : i32
    %run_scoped3A_7 = arith.constant 2 : i32
    "tpu.region"() ({
      %run_scoped3A_42 = tpu.sem_alloc : memref<!tpu.dma_semaphore, #tpu.memory_space<semaphore_mem>>
      %dma_start3A = arith.constant 0 : i32
      %dma_start3A_43 = tpu.memref_slice %arg6[%run_scoped3A_7, %dma_start3A] : memref<4x512xi32, #tpu.memory_space<vmem>> -> memref<1x512xi32, #tpu.memory_space<vmem>>
      %dma_start3A_44 = tpu.memref_squeeze %dma_start3A_43 : memref<1x512xi32, #tpu.memory_space<vmem>> -> memref<512xi32, #tpu.memory_space<vmem>>
      %dma_start3A_45 = tpu.memref_slice %arg3[%run_scoped3A_6, %mul3A_2] : memref<4x16384xi32, #tpu.memory_space<hbm>> -> memref<1x512xi32, #tpu.memory_space<hbm>>
      %dma_start3A_46 = tpu.memref_squeeze %dma_start3A_45 : memref<1x512xi32, #tpu.memory_space<hbm>> -> memref<512xi32, #tpu.memory_space<hbm>>
      %dma_start3A_47 = arith.constant 0 : i32
      %dma_start3A_48 = tpu.memref_slice %arg6[%run_scoped3A_7, %dma_start3A_47] : memref<4x512xi32, #tpu.memory_space<vmem>> -> memref<1x512xi32, #tpu.memory_space<vmem>>
      %dma_start3A_49 = tpu.memref_squeeze %dma_start3A_48 : memref<1x512xi32, #tpu.memory_space<vmem>> -> memref<512xi32, #tpu.memory_space<vmem>>
      %dma_start3A_50 = tpu.memref_slice %arg3[%run_scoped3A_6, %mul3A_2] : memref<4x16384xi32, #tpu.memory_space<hbm>> -> memref<1x512xi32, #tpu.memory_space<hbm>>
      %dma_start3A_51 = tpu.memref_squeeze %dma_start3A_50 : memref<1x512xi32, #tpu.memory_space<hbm>> -> memref<512xi32, #tpu.memory_space<hbm>>
      tpu.enqueue_dma source(%dma_start3A_51 : memref<512xi32, #tpu.memory_space<hbm>>) target(%dma_start3A_49 : memref<512xi32, #tpu.memory_space<vmem>>) target_semaphore(%run_scoped3A_42 : memref<!tpu.dma_semaphore, #tpu.memory_space<semaphore_mem>>)
      %dma_wait3A_52 = arith.constant 0 : i32
      %dma_wait3A_53 = tpu.memref_slice %arg6[%run_scoped3A_7, %dma_wait3A_52] : memref<4x512xi32, #tpu.memory_space<vmem>> -> memref<1x512xi32, #tpu.memory_space<vmem>>
      %dma_wait3A_54 = tpu.memref_squeeze %dma_wait3A_53 : memref<1x512xi32, #tpu.memory_space<vmem>> -> memref<512xi32, #tpu.memory_space<vmem>>
      %dma_wait3A_55 = tpu.memref_slice %arg3[%run_scoped3A_6, %mul3A_2] : memref<4x16384xi32, #tpu.memory_space<hbm>> -> memref<1x512xi32, #tpu.memory_space<hbm>>
      %dma_wait3A_56 = tpu.memref_squeeze %dma_wait3A_55 : memref<1x512xi32, #tpu.memory_space<hbm>> -> memref<512xi32, #tpu.memory_space<hbm>>
      %dma_wait3A_57 = arith.constant 0 : i32
      %dma_wait3A_58 = tpu.memref_slice %arg6[%run_scoped3A_7, %dma_wait3A_57] : memref<4x512xi32, #tpu.memory_space<vmem>> -> memref<1x512xi32, #tpu.memory_space<vmem>>
      %dma_wait3A_59 = tpu.memref_squeeze %dma_wait3A_58 : memref<1x512xi32, #tpu.memory_space<vmem>> -> memref<512xi32, #tpu.memory_space<vmem>>
      %dma_wait3A_60 = tpu.memref_slice %arg3[%run_scoped3A_6, %mul3A_2] : memref<4x16384xi32, #tpu.memory_space<hbm>> -> memref<1x512xi32, #tpu.memory_space<hbm>>
      %dma_wait3A_61 = tpu.memref_squeeze %dma_wait3A_60 : memref<1x512xi32, #tpu.memory_space<hbm>> -> memref<512xi32, #tpu.memory_space<hbm>>
      tpu.wait_dma2 semaphore(%run_scoped3A_42 : memref<!tpu.dma_semaphore, #tpu.memory_space<semaphore_mem>>) src(%dma_wait3A_61 : memref<512xi32, #tpu.memory_space<hbm>>) dst(%dma_wait3A_59 : memref<512xi32, #tpu.memory_space<vmem>>)
      tpu.yield
    }) : () -> ()
    %run_scoped3A_8 = arith.constant 3 : i32
    %run_scoped3A_9 = arith.constant 3 : i32
    "tpu.region"() ({
      %run_scoped3A_42 = tpu.sem_alloc : memref<!tpu.dma_semaphore, #tpu.memory_space<semaphore_mem>>
      %dma_start3A = arith.constant 0 : i32
      %dma_start3A_43 = tpu.memref_slice %arg6[%run_scoped3A_9, %dma_start3A] : memref<4x512xi32, #tpu.memory_space<vmem>> -> memref<1x512xi32, #tpu.memory_space<vmem>>
      %dma_start3A_44 = tpu.memref_squeeze %dma_start3A_43 : memref<1x512xi32, #tpu.memory_space<vmem>> -> memref<512xi32, #tpu.memory_space<vmem>>
      %dma_start3A_45 = tpu.memref_slice %arg3[%run_scoped3A_8, %mul3A_2] : memref<4x16384xi32, #tpu.memory_space<hbm>> -> memref<1x512xi32, #tpu.memory_space<hbm>>
      %dma_start3A_46 = tpu.memref_squeeze %dma_start3A_45 : memref<1x512xi32, #tpu.memory_space<hbm>> -> memref<512xi32, #tpu.memory_space<hbm>>
      %dma_start3A_47 = arith.constant 0 : i32
      %dma_start3A_48 = tpu.memref_slice %arg6[%run_scoped3A_9, %dma_start3A_47] : memref<4x512xi32, #tpu.memory_space<vmem>> -> memref<1x512xi32, #tpu.memory_space<vmem>>
      %dma_start3A_49 = tpu.memref_squeeze %dma_start3A_48 : memref<1x512xi32, #tpu.memory_space<vmem>> -> memref<512xi32, #tpu.memory_space<vmem>>
      %dma_start3A_50 = tpu.memref_slice %arg3[%run_scoped3A_8, %mul3A_2] : memref<4x16384xi32, #tpu.memory_space<hbm>> -> memref<1x512xi32, #tpu.memory_space<hbm>>
      %dma_start3A_51 = tpu.memref_squeeze %dma_start3A_50 : memref<1x512xi32, #tpu.memory_space<hbm>> -> memref<512xi32, #tpu.memory_space<hbm>>
      tpu.enqueue_dma source(%dma_start3A_51 : memref<512xi32, #tpu.memory_space<hbm>>) target(%dma_start3A_49 : memref<512xi32, #tpu.memory_space<vmem>>) target_semaphore(%run_scoped3A_42 : memref<!tpu.dma_semaphore, #tpu.memory_space<semaphore_mem>>)
      %dma_wait3A_52 = arith.constant 0 : i32
      %dma_wait3A_53 = tpu.memref_slice %arg6[%run_scoped3A_9, %dma_wait3A_52] : memref<4x512xi32, #tpu.memory_space<vmem>> -> memref<1x512xi32, #tpu.memory_space<vmem>>
      %dma_wait3A_54 = tpu.memref_squeeze %dma_wait3A_53 : memref<1x512xi32, #tpu.memory_space<vmem>> -> memref<512xi32, #tpu.memory_space<vmem>>
      %dma_wait3A_55 = tpu.memref_slice %arg3[%run_scoped3A_8, %mul3A_2] : memref<4x16384xi32, #tpu.memory_space<hbm>> -> memref<1x512xi32, #tpu.memory_space<hbm>>
      %dma_wait3A_56 = tpu.memref_squeeze %dma_wait3A_55 : memref<1x512xi32, #tpu.memory_space<hbm>> -> memref<512xi32, #tpu.memory_space<hbm>>
      %dma_wait3A_57 = arith.constant 0 : i32
      %dma_wait3A_58 = tpu.memref_slice %arg6[%run_scoped3A_9, %dma_wait3A_57] : memref<4x512xi32, #tpu.memory_space<vmem>> -> memref<1x512xi32, #tpu.memory_space<vmem>>
      %dma_wait3A_59 = tpu.memref_squeeze %dma_wait3A_58 : memref<1x512xi32, #tpu.memory_space<vmem>> -> memref<512xi32, #tpu.memory_space<vmem>>
      %dma_wait3A_60 = tpu.memref_slice %arg3[%run_scoped3A_8, %mul3A_2] : memref<4x16384xi32, #tpu.memory_space<hbm>> -> memref<1x512xi32, #tpu.memory_space<hbm>>
      %dma_wait3A_61 = tpu.memref_squeeze %dma_wait3A_60 : memref<1x512xi32, #tpu.memory_space<hbm>> -> memref<512xi32, #tpu.memory_space<hbm>>
      tpu.wait_dma2 semaphore(%run_scoped3A_42 : memref<!tpu.dma_semaphore, #tpu.memory_space<semaphore_mem>>) src(%dma_wait3A_61 : memref<512xi32, #tpu.memory_space<hbm>>) dst(%dma_wait3A_59 : memref<512xi32, #tpu.memory_space<vmem>>)
      tpu.yield
    }) : () -> ()
    %iota3A = tpu.iota {dimensions = array<i32: 0>} : vector<16xi32>
    %mul3A_10 = arith.constant 16 : i32
    %mul3A_11 = vector.broadcast %mul3A_10 : i32 to vector<16xi32>
    %mul3A_12 = arith.muli %iota3A, %mul3A_11 : vector<16xi32>
    %scan3A = arith.constant 0 : i32
    %scan3A_13 = arith.constant 0 : i32
    %scan3A_14 = arith.constant 32 : i32
    %scan3A_15 = arith.addi %scan3A_13, %scan3A_14 : i32
    %scan3A_16 = arith.constant 1 : i32
    %scan3A_17 = scf.for %scan3A_42 = %scan3A_13 to %scan3A_15 step %scan3A_16 iter_args(%scan3A_43 = %scan3A) -> (i32)  : i32 {
      %shift_right_arithmetic3A = arith.constant 2 : i32
      %shift_right_arithmetic3A_44 = arith.shrsi %scan3A_42, %shift_right_arithmetic3A : i32
      %and3A = arith.constant 1 : i32
      %and3A_45 = arith.andi %shift_right_arithmetic3A_44, %and3A : i32
      %and3A_46 = arith.constant 3 : i32
      %and3A_47 = arith.andi %scan3A_42, %and3A_46 : i32
      %ge3A = arith.constant 8 : i32
      %ge3A_48 = arith.cmpi sge, %scan3A_42, %ge3A : i32
      %eq3A = arith.constant 0 : i32
      %eq3A_49 = arith.cmpi eq, %and3A_47, %eq3A : i32
      %and3A_50 = arith.andi %ge3A_48, %eq3A_49 : i1
      %convert_element_type3A = arith.extui %and3A_50 : i1 to i32
      %cond3A = arith.constant 0 : i32
      %cond3A_51 = arith.cmpi ne, %convert_element_type3A, %cond3A : i32
      scf.if %cond3A_51 {
        %eq3A_95 = arith.constant 0 : i32
        %eq3A_96 = arith.cmpi eq, %and3A_45, %eq3A_95 : i32
        %convert_element_type3A_97 = arith.extui %eq3A_96 : i1 to i32
        %cond3A_98 = arith.constant 0 : i32
        %cond3A_99 = arith.cmpi ne, %convert_element_type3A_97, %cond3A_98 : i32
        scf.if %cond3A_99 {
          %dma_wait3A_105 = arith.constant 0 : i32
          %dma_wait3A_106 = arith.constant 0 : i32
          %dma_wait3A_107 = tpu.memref_slice %arg8[%dma_wait3A_105, %dma_wait3A_106] : memref<128x128xf32, #tpu.memory_space<vmem>> -> memref<64x128xf32, #tpu.memory_space<vmem>>
          %dma_wait3A_108 = arith.constant 0 : i32
          %dma_wait3A_109 = arith.constant 0 : i32
          %dma_wait3A_110 = tpu.memref_slice %arg4[%dma_wait3A_108, %dma_wait3A_109] : memref<16384x128xf32, #tpu.memory_space<hbm>> -> memref<64x128xf32, #tpu.memory_space<hbm>>
          %dma_wait3A_111 = arith.constant 0 : i32
          %dma_wait3A_112 = arith.constant 0 : i32
          %dma_wait3A_113 = tpu.memref_slice %arg4[%dma_wait3A_111, %dma_wait3A_112] : memref<16384x128xf32, #tpu.memory_space<hbm>> -> memref<64x128xf32, #tpu.memory_space<hbm>>
          %dma_wait3A_114 = arith.constant 0 : i32
          %dma_wait3A_115 = arith.constant 0 : i32
          %dma_wait3A_116 = tpu.memref_slice %arg8[%dma_wait3A_114, %dma_wait3A_115] : memref<128x128xf32, #tpu.memory_space<vmem>> -> memref<64x128xf32, #tpu.memory_space<vmem>>
          tpu.wait_dma2 semaphore(%arg9 : memref<!tpu.dma_semaphore, #tpu.memory_space<semaphore_mem>>) src(%dma_wait3A_116 : memref<64x128xf32, #tpu.memory_space<vmem>>) dst(%dma_wait3A_113 : memref<64x128xf32, #tpu.memory_space<hbm>>)
        } else {
        }
        %eq3A_100 = arith.constant 1 : i32
        %eq3A_101 = arith.cmpi eq, %and3A_45, %eq3A_100 : i32
        %convert_element_type3A_102 = arith.extui %eq3A_101 : i1 to i32
        %cond3A_103 = arith.constant 0 : i32
        %cond3A_104 = arith.cmpi ne, %convert_element_type3A_102, %cond3A_103 : i32
        scf.if %cond3A_104 {
          %dma_wait3A_105 = arith.constant 64 : i32
          %dma_wait3A_106 = arith.constant 0 : i32
          %dma_wait3A_107 = tpu.memref_slice %arg8[%dma_wait3A_105, %dma_wait3A_106] : memref<128x128xf32, #tpu.memory_space<vmem>> -> memref<64x128xf32, #tpu.memory_space<vmem>>
          %dma_wait3A_108 = arith.constant 0 : i32
          %dma_wait3A_109 = arith.constant 0 : i32
          %dma_wait3A_110 = tpu.memref_slice %arg4[%dma_wait3A_108, %dma_wait3A_109] : memref<16384x128xf32, #tpu.memory_space<hbm>> -> memref<64x128xf32, #tpu.memory_space<hbm>>
          %dma_wait3A_111 = arith.constant 0 : i32
          %dma_wait3A_112 = arith.constant 0 : i32
          %dma_wait3A_113 = tpu.memref_slice %arg4[%dma_wait3A_111, %dma_wait3A_112] : memref<16384x128xf32, #tpu.memory_space<hbm>> -> memref<64x128xf32, #tpu.memory_space<hbm>>
          %dma_wait3A_114 = arith.constant 64 : i32
          %dma_wait3A_115 = arith.constant 0 : i32
          %dma_wait3A_116 = tpu.memref_slice %arg8[%dma_wait3A_114, %dma_wait3A_115] : memref<128x128xf32, #tpu.memory_space<vmem>> -> memref<64x128xf32, #tpu.memory_space<vmem>>
          tpu.wait_dma2 semaphore(%arg10 : memref<!tpu.dma_semaphore, #tpu.memory_space<semaphore_mem>>) src(%dma_wait3A_116 : memref<64x128xf32, #tpu.memory_space<vmem>>) dst(%dma_wait3A_113 : memref<64x128xf32, #tpu.memory_space<hbm>>)
        } else {
        }
      } else {
      }
      %mul3A_52 = arith.constant 16 : i32
      %mul3A_53 = arith.muli %scan3A_42, %mul3A_52 : i32
      %get3A = arith.constant 0 : i32
      %get3A_54 = arith.index_cast %get3A : i32 to index
      %get3A_55 = arith.index_cast %mul3A_53 : i32 to index
      %get3A_56 = tpu.vector_load %arg6[%get3A_54, %get3A_55] {strides = array<i32>} : memref<4x512xi32, #tpu.memory_space<vmem>>, vector<16xi32>,
      %mul3A_57 = arith.constant 16 : i32
      %mul3A_58 = arith.muli %scan3A_42, %mul3A_57 : i32
      %get3A_59 = arith.constant 1 : i32
      %get3A_60 = arith.index_cast %get3A_59 : i32 to index
      %get3A_61 = arith.index_cast %mul3A_58 : i32 to index
      %get3A_62 = tpu.vector_load %arg6[%get3A_60, %get3A_61] {strides = array<i32>} : memref<4x512xi32, #tpu.memory_space<vmem>>, vector<16xi32>,
      %mul3A_63 = arith.constant 16 : i32
      %mul3A_64 = arith.muli %scan3A_42, %mul3A_63 : i32
      %get3A_65 = arith.constant 2 : i32
      %get3A_66 = arith.index_cast %get3A_65 : i32 to index
      %get3A_67 = arith.index_cast %mul3A_64 : i32 to index
      %get3A_68 = tpu.vector_load %arg6[%get3A_66, %get3A_67] {strides = array<i32>} : memref<4x512xi32, #tpu.memory_space<vmem>>, vector<16xi32>,
      %mul3A_69 = arith.constant 16 : i32
      %mul3A_70 = arith.muli %scan3A_42, %mul3A_69 : i32
      %get3A_71 = arith.constant 3 : i32
      %get3A_72 = arith.index_cast %get3A_71 : i32 to index
      %get3A_73 = arith.index_cast %mul3A_70 : i32 to index
      %get3A_74 = tpu.vector_load %arg6[%get3A_72, %get3A_73] {strides = array<i32>} : memref<4x512xi32, #tpu.memory_space<vmem>>, vector<16xi32>,
      %parallel_loop3A = arith.constant 0 : i32
      %parallel_loop3A_75 = arith.constant 64 : i32
      %parallel_loop3A_76 = arith.constant 1 : i32
      scf.for %parallel_loop3A_95 = %parallel_loop3A to %parallel_loop3A_75 step %parallel_loop3A_76  : i32 {
        %parallel_loop3A_96 = arith.constant 1024 : i32
        %parallel_loop3A_97 = arith.muli %parallel_loop3A_95, %parallel_loop3A_96 : i32
        %parallel_loop3A_98 = tpu.memref_slice %arg5[%parallel_loop3A_97] : memref<65536xi32, #tpu.memory_space<vmem>> -> memref<1024xi32, #tpu.memory_space<vmem>>
        %parallel_loop3A_99 = tpu.vector_load_idx %parallel_loop3A_98[%get3A_56] : memref<1024xi32, #tpu.memory_space<vmem>>[vector<16xi32>], vector<16xi32>,
        %parallel_loop3A_100 = vector.bitcast %parallel_loop3A_99 : vector<16xi32> to vector<32xbf16>
        %parallel_loop3A_101 = tpu.memref_slice %arg5[%parallel_loop3A_97] : memref<65536xi32, #tpu.memory_space<vmem>> -> memref<1024xi32, #tpu.memory_space<vmem>>
        %parallel_loop3A_102 = tpu.vector_load_idx %parallel_loop3A_101[%get3A_62] : memref<1024xi32, #tpu.memory_space<vmem>>[vector<16xi32>], vector<16xi32>,
        %parallel_loop3A_103 = vector.bitcast %parallel_loop3A_102 : vector<16xi32> to vector<32xbf16>
        %parallel_loop3A_104 = tpu.memref_slice %arg5[%parallel_loop3A_97] : memref<65536xi32, #tpu.memory_space<vmem>> -> memref<1024xi32, #tpu.memory_space<vmem>>
        %parallel_loop3A_105 = tpu.vector_load_idx %parallel_loop3A_104[%get3A_68] : memref<1024xi32, #tpu.memory_space<vmem>>[vector<16xi32>], vector<16xi32>,
        %parallel_loop3A_106 = vector.bitcast %parallel_loop3A_105 : vector<16xi32> to vector<32xbf16>
        %parallel_loop3A_107 = tpu.memref_slice %arg5[%parallel_loop3A_97] : memref<65536xi32, #tpu.memory_space<vmem>> -> memref<1024xi32, #tpu.memory_space<vmem>>
        %parallel_loop3A_108 = tpu.vector_load_idx %parallel_loop3A_107[%get3A_74] : memref<1024xi32, #tpu.memory_space<vmem>>[vector<16xi32>], vector<16xi32>,
        %parallel_loop3A_109 = vector.bitcast %parallel_loop3A_108 : vector<16xi32> to vector<32xbf16>
        %parallel_loop3A_110 = arith.addf %parallel_loop3A_100, %parallel_loop3A_103 : vector<32xbf16>
        %parallel_loop3A_111 = arith.addf %parallel_loop3A_106, %parallel_loop3A_109 : vector<32xbf16>
        %parallel_loop3A_112 = arith.addf %parallel_loop3A_110, %parallel_loop3A_111 : vector<32xbf16>
        %parallel_loop3A_113 = vector.bitcast %parallel_loop3A_112 : vector<32xbf16> to vector<16xi32>
        %parallel_loop3A_114 = arith.constant 16 : i32
        %parallel_loop3A_115 = arith.muli %parallel_loop3A_95, %parallel_loop3A_114 : i32
        %parallel_loop3A_116 = arith.index_cast %parallel_loop3A_115 : i32 to index
        %parallel_loop3A_117 = tpu.vector_load %arg7[%parallel_loop3A_116] {strides = array<i32>} : memref<1024xi32, #tpu.memory_space<vmem>>, vector<16xi32>,
        tpu.vector_store %arg7[%parallel_loop3A_116], %parallel_loop3A_113 {strides = array<i32>} : memref<1024xi32, #tpu.memory_space<vmem>>, vector<16xi32>,
      } {sc.loop_unroll_factor = 2 : i64, sc.parallel_access}
      %mul3A_77 = arith.constant 64 : i32
      %mul3A_78 = arith.muli %and3A_45, %mul3A_77 : i32
      %mul3A_79 = arith.constant 16 : i32
      %mul3A_80 = arith.muli %and3A_47, %mul3A_79 : i32
      %add3A_81 = arith.addi %mul3A_78, %mul3A_80 : i32
      %scan3A_82 = arith.constant 0 : i32
      %scan3A_83 = arith.constant 0 : i32
      %scan3A_84 = arith.constant 64 : i32
      %scan3A_85 = arith.addi %scan3A_83, %scan3A_84 : i32
      %scan3A_86 = arith.constant 2 : i32
      %scan3A_87 = scf.for %scan3A_95 = %scan3A_83 to %scan3A_85 step %scan3A_86 iter_args(%scan3A_96 = %scan3A_82) -> (i32)  : i32 {
        %shift_right_arithmetic3A_97 = arith.constant 2 : i32
        %shift_right_arithmetic3A_98 = arith.shrsi %scan3A_95, %shift_right_arithmetic3A_97 : i32
        %and3A_99 = arith.constant 3 : i32
        %and3A_100 = arith.andi %scan3A_95, %and3A_99 : i32
        %mul3A_101 = arith.constant 256 : i32
        %mul3A_102 = arith.muli %and3A_100, %mul3A_101 : i32
        %add3A_103 = arith.addi %mul3A_102, %shift_right_arithmetic3A_98 : i32
        %add3A_104 = vector.broadcast %add3A_103 : i32 to vector<16xi32>
        %add3A_105 = arith.addi %mul3A_12, %add3A_104 : vector<16xi32>
        %gather3A = tpu.vector_load_idx %arg7[%add3A_105] : memref<1024xi32, #tpu.memory_space<vmem>>[vector<16xi32>], vector<16xi32>,
        %bitcast3A = vector.bitcast %gather3A : vector<16xi32> to vector<32xbf16>
        %unpack3A = tpu.unpack_subelements %bitcast3A, 0 {pack_format = #tpu.pack_format<interleaved>} : vector<32xbf16> -> vector<16xf32>
        %unpack3A_106 = tpu.unpack_subelements %bitcast3A, 1 {pack_format = #tpu.pack_format<interleaved>} : vector<32xbf16> -> vector<16xf32>
        %add3A_107 = arith.addi %add3A_81, %shift_right_arithmetic3A_98 : i32
        %mul3A_108 = arith.constant 16 : i32
        %mul3A_109 = arith.muli %and3A_100, %mul3A_108 : i32
        %swap3A = arith.index_cast %add3A_107 : i32 to index
        %swap3A_110 = arith.index_cast %mul3A_109 : i32 to index
        %swap3A_111 = tpu.vector_load %arg8[%swap3A, %swap3A_110] {strides = array<i32>} : memref<128x128xf32, #tpu.memory_space<vmem>>, vector<16xf32>,
        tpu.vector_store %arg8[%swap3A, %swap3A_110], %unpack3A {strides = array<i32>} : memref<128x128xf32, #tpu.memory_space<vmem>>, vector<16xf32>,
        %add3A_112 = arith.addi %add3A_81, %shift_right_arithmetic3A_98 : i32
        %mul3A_113 = arith.constant 16 : i32
        %mul3A_114 = arith.muli %and3A_100, %mul3A_113 : i32
        %add3A_115 = arith.constant 64 : i32
        %add3A_116 = arith.addi %mul3A_114, %add3A_115 : i32
        %swap3A_117 = arith.index_cast %add3A_112 : i32 to index
        %swap3A_118 = arith.index_cast %add3A_116 : i32 to index
        %swap3A_119 = tpu.vector_load %arg8[%swap3A_117, %swap3A_118] {strides = array<i32>} : memref<128x128xf32, #tpu.memory_space<vmem>>, vector<16xf32>,
        tpu.vector_store %arg8[%swap3A_117, %swap3A_118], %unpack3A_106 {strides = array<i32>} : memref<128x128xf32, #tpu.memory_space<vmem>>, vector<16xf32>,
        %scan3A_120 = arith.constant 0 : i32
        %scan3A_121 = arith.constant 1 : i32
        %scan3A_122 = arith.addi %scan3A_95, %scan3A_121 : i32
        %shift_right_arithmetic3A_123 = arith.constant 2 : i32
        %shift_right_arithmetic3A_124 = arith.shrsi %scan3A_122, %shift_right_arithmetic3A_123 : i32
        %and3A_125 = arith.constant 3 : i32
        %and3A_126 = arith.andi %scan3A_122, %and3A_125 : i32
        %mul3A_127 = arith.constant 256 : i32
        %mul3A_128 = arith.muli %and3A_126, %mul3A_127 : i32
        %add3A_129 = arith.addi %mul3A_128, %shift_right_arithmetic3A_124 : i32
        %add3A_130 = vector.broadcast %add3A_129 : i32 to vector<16xi32>
        %add3A_131 = arith.addi %mul3A_12, %add3A_130 : vector<16xi32>
        %gather3A_132 = tpu.vector_load_idx %arg7[%add3A_131] : memref<1024xi32, #tpu.memory_space<vmem>>[vector<16xi32>], vector<16xi32>,
        %bitcast3A_133 = vector.bitcast %gather3A_132 : vector<16xi32> to vector<32xbf16>
        %unpack3A_134 = tpu.unpack_subelements %bitcast3A_133, 0 {pack_format = #tpu.pack_format<interleaved>} : vector<32xbf16> -> vector<16xf32>
        %unpack3A_135 = tpu.unpack_subelements %bitcast3A_133, 1 {pack_format = #tpu.pack_format<interleaved>} : vector<32xbf16> -> vector<16xf32>
        %add3A_136 = arith.addi %add3A_81, %shift_right_arithmetic3A_124 : i32
        %mul3A_137 = arith.constant 16 : i32
        %mul3A_138 = arith.muli %and3A_126, %mul3A_137 : i32
        %swap3A_139 = arith.index_cast %add3A_136 : i32 to index
        %swap3A_140 = arith.index_cast %mul3A_138 : i32 to index
        %swap3A_141 = tpu.vector_load %arg8[%swap3A_139, %swap3A_140] {strides = array<i32>} : memref<128x128xf32, #tpu.memory_space<vmem>>, vector<16xf32>,
        tpu.vector_store %arg8[%swap3A_139, %swap3A_140], %unpack3A_134 {strides = array<i32>} : memref<128x128xf32, #tpu.memory_space<vmem>>, vector<16xf32>,
        %add3A_142 = arith.addi %add3A_81, %shift_right_arithmetic3A_124 : i32
        %mul3A_143 = arith.constant 16 : i32
        %mul3A_144 = arith.muli %and3A_126, %mul3A_143 : i32
        %add3A_145 = arith.constant 64 : i32
        %add3A_146 = arith.addi %mul3A_144, %add3A_145 : i32
        %swap3A_147 = arith.index_cast %add3A_142 : i32 to index
        %swap3A_148 = arith.index_cast %add3A_146 : i32 to index
        %swap3A_149 = tpu.vector_load %arg8[%swap3A_147, %swap3A_148] {strides = array<i32>} : memref<128x128xf32, #tpu.memory_space<vmem>>, vector<16xf32>,
        tpu.vector_store %arg8[%swap3A_147, %swap3A_148], %unpack3A_135 {strides = array<i32>} : memref<128x128xf32, #tpu.memory_space<vmem>>, vector<16xf32>,
        %scan3A_150 = arith.constant 0 : i32
        scf.yield %scan3A_150 : i32
      }
      %scan3A_88 = arith.constant 64 : i32
      %eq3A_89 = arith.constant 3 : i32
      %eq3A_90 = arith.cmpi eq, %and3A_47, %eq3A_89 : i32
      %convert_element_type3A_91 = arith.extui %eq3A_90 : i1 to i32
      %cond3A_92 = arith.constant 0 : i32
      %cond3A_93 = arith.cmpi ne, %convert_element_type3A_91, %cond3A_92 : i32
      scf.if %cond3A_93 {
        %shift_right_arithmetic3A_95 = arith.constant 2 : i32
        %shift_right_arithmetic3A_96 = arith.shrsi %scan3A_42, %shift_right_arithmetic3A_95 : i32
        %mul3A_97 = arith.constant 64 : i32
        %mul3A_98 = arith.muli %shift_right_arithmetic3A_96, %mul3A_97 : i32
        %add3A_99 = arith.addi %mul3A_2, %mul3A_98 : i32
        %eq3A_100 = arith.constant 0 : i32
        %eq3A_101 = arith.cmpi eq, %and3A_45, %eq3A_100 : i32
        %convert_element_type3A_102 = arith.extui %eq3A_101 : i1 to i32
        %cond3A_103 = arith.constant 0 : i32
        %cond3A_104 = arith.cmpi ne, %convert_element_type3A_102, %cond3A_103 : i32
        scf.if %cond3A_104 {
          %dma_start3A = arith.constant 0 : i32
          %dma_start3A_110 = arith.constant 0 : i32
          %dma_start3A_111 = tpu.memref_slice %arg8[%dma_start3A, %dma_start3A_110] : memref<128x128xf32, #tpu.memory_space<vmem>> -> memref<64x128xf32, #tpu.memory_space<vmem>>
          %dma_start3A_112 = arith.constant 0 : i32
          %dma_start3A_113 = tpu.memref_slice %arg4[%add3A_99, %dma_start3A_112] : memref<16384x128xf32, #tpu.memory_space<hbm>> -> memref<64x128xf32, #tpu.memory_space<hbm>>
          %dma_start3A_114 = arith.constant 0 : i32
          %dma_start3A_115 = tpu.memref_slice %arg4[%add3A_99, %dma_start3A_114] : memref<16384x128xf32, #tpu.memory_space<hbm>> -> memref<64x128xf32, #tpu.memory_space<hbm>>
          %dma_start3A_116 = arith.constant 0 : i32
          %dma_start3A_117 = arith.constant 0 : i32
          %dma_start3A_118 = tpu.memref_slice %arg8[%dma_start3A_116, %dma_start3A_117] : memref<128x128xf32, #tpu.memory_space<vmem>> -> memref<64x128xf32, #tpu.memory_space<vmem>>
          tpu.enqueue_dma source(%dma_start3A_118 : memref<64x128xf32, #tpu.memory_space<vmem>>) target(%dma_start3A_115 : memref<64x128xf32, #tpu.memory_space<hbm>>) target_semaphore(%arg9 : memref<!tpu.dma_semaphore, #tpu.memory_space<semaphore_mem>>)
        } else {
        }
        %eq3A_105 = arith.constant 1 : i32
        %eq3A_106 = arith.cmpi eq, %and3A_45, %eq3A_105 : i32
        %convert_element_type3A_107 = arith.extui %eq3A_106 : i1 to i32
        %cond3A_108 = arith.constant 0 : i32
        %cond3A_109 = arith.cmpi ne, %convert_element_type3A_107, %cond3A_108 : i32
        scf.if %cond3A_109 {
          %dma_start3A = arith.constant 64 : i32
          %dma_start3A_110 = arith.constant 0 : i32
          %dma_start3A_111 = tpu.memref_slice %arg8[%dma_start3A, %dma_start3A_110] : memref<128x128xf32, #tpu.memory_space<vmem>> -> memref<64x128xf32, #tpu.memory_space<vmem>>
          %dma_start3A_112 = arith.constant 0 : i32
          %dma_start3A_113 = tpu.memref_slice %arg4[%add3A_99, %dma_start3A_112] : memref<16384x128xf32, #tpu.memory_space<hbm>> -> memref<64x128xf32, #tpu.memory_space<hbm>>
          %dma_start3A_114 = arith.constant 0 : i32
          %dma_start3A_115 = tpu.memref_slice %arg4[%add3A_99, %dma_start3A_114] : memref<16384x128xf32, #tpu.memory_space<hbm>> -> memref<64x128xf32, #tpu.memory_space<hbm>>
          %dma_start3A_116 = arith.constant 64 : i32
          %dma_start3A_117 = arith.constant 0 : i32
          %dma_start3A_118 = tpu.memref_slice %arg8[%dma_start3A_116, %dma_start3A_117] : memref<128x128xf32, #tpu.memory_space<vmem>> -> memref<64x128xf32, #tpu.memory_space<vmem>>
          tpu.enqueue_dma source(%dma_start3A_118 : memref<64x128xf32, #tpu.memory_space<vmem>>) target(%dma_start3A_115 : memref<64x128xf32, #tpu.memory_space<hbm>>) target_semaphore(%arg10 : memref<!tpu.dma_semaphore, #tpu.memory_space<semaphore_mem>>)
        } else {
        }
      } else {
      }
      %scan3A_94 = arith.constant 0 : i32
      scf.yield %scan3A_94 : i32
    }
    %scan3A_18 = arith.constant 32 : i32
    %dma_wait3A = arith.constant 0 : i32
    %dma_wait3A_19 = arith.constant 0 : i32
    %dma_wait3A_20 = tpu.memref_slice %arg8[%dma_wait3A, %dma_wait3A_19] : memref<128x128xf32, #tpu.memory_space<vmem>> -> memref<64x128xf32, #tpu.memory_space<vmem>>
    %dma_wait3A_21 = arith.constant 0 : i32
    %dma_wait3A_22 = arith.constant 0 : i32
    %dma_wait3A_23 = tpu.memref_slice %arg4[%dma_wait3A_21, %dma_wait3A_22] : memref<16384x128xf32, #tpu.memory_space<hbm>> -> memref<64x128xf32, #tpu.memory_space<hbm>>
    %dma_wait3A_24 = arith.constant 0 : i32
    %dma_wait3A_25 = arith.constant 0 : i32
    %dma_wait3A_26 = tpu.memref_slice %arg4[%dma_wait3A_24, %dma_wait3A_25] : memref<16384x128xf32, #tpu.memory_space<hbm>> -> memref<64x128xf32, #tpu.memory_space<hbm>>
    %dma_wait3A_27 = arith.constant 0 : i32
    %dma_wait3A_28 = arith.constant 0 : i32
    %dma_wait3A_29 = tpu.memref_slice %arg8[%dma_wait3A_27, %dma_wait3A_28] : memref<128x128xf32, #tpu.memory_space<vmem>> -> memref<64x128xf32, #tpu.memory_space<vmem>>
    tpu.wait_dma2 semaphore(%arg9 : memref<!tpu.dma_semaphore, #tpu.memory_space<semaphore_mem>>) src(%dma_wait3A_29 : memref<64x128xf32, #tpu.memory_space<vmem>>) dst(%dma_wait3A_26 : memref<64x128xf32, #tpu.memory_space<hbm>>)
    %dma_wait3A_30 = arith.constant 64 : i32
    %dma_wait3A_31 = arith.constant 0 : i32
    %dma_wait3A_32 = tpu.memref_slice %arg8[%dma_wait3A_30, %dma_wait3A_31] : memref<128x128xf32, #tpu.memory_space<vmem>> -> memref<64x128xf32, #tpu.memory_space<vmem>>
    %dma_wait3A_33 = arith.constant 0 : i32
    %dma_wait3A_34 = arith.constant 0 : i32
    %dma_wait3A_35 = tpu.memref_slice %arg4[%dma_wait3A_33, %dma_wait3A_34] : memref<16384x128xf32, #tpu.memory_space<hbm>> -> memref<64x128xf32, #tpu.memory_space<hbm>>
    %dma_wait3A_36 = arith.constant 0 : i32
    %dma_wait3A_37 = arith.constant 0 : i32
    %dma_wait3A_38 = tpu.memref_slice %arg4[%dma_wait3A_36, %dma_wait3A_37] : memref<16384x128xf32, #tpu.memory_space<hbm>> -> memref<64x128xf32, #tpu.memory_space<hbm>>
    %dma_wait3A_39 = arith.constant 64 : i32
    %dma_wait3A_40 = arith.constant 0 : i32
    %dma_wait3A_41 = tpu.memref_slice %arg8[%dma_wait3A_39, %dma_wait3A_40] : memref<128x128xf32, #tpu.memory_space<vmem>> -> memref<64x128xf32, #tpu.memory_space<vmem>>
    tpu.wait_dma2 semaphore(%arg10 : memref<!tpu.dma_semaphore, #tpu.memory_space<semaphore_mem>>) src(%dma_wait3A_41 : memref<64x128xf32, #tpu.memory_space<vmem>>) dst(%dma_wait3A_38 : memref<64x128xf32, #tpu.memory_space<hbm>>)
    return
  }
}

module attributes {stable_mosaic.version = 14 : i64} {
  func.func @_prep_body(%arg0: memref<32x16384xi32, #tpu.memory_space<vmem>>, %arg1: memref<32x2x128xf32, #tpu.memory_space<vmem>>, %arg2: memref<1024x32xf32, #tpu.memory_space<vmem>>, %arg3: memref<1024x32xf32, #tpu.memory_space<vmem>>, %arg4: memref<4x32xf32, #tpu.memory_space<vmem>>, %arg5: memref<4x16384xi32, #tpu.memory_space<vmem>>, %arg6: memref<64x1024xi32, #tpu.memory_space<vmem>>) attributes {dimension_semantics = [], scalar_prefetch = 0 : i64, scratch_operands = 0 : i64, tpu.core_type = #tpu.core_type<tc>} {
    %get3A = arith.constant 0 : index
    %get3A_0 = arith.constant 0 : index
    %get3A_1 = vector.load %arg0[%get3A, %get3A_0] : memref<32x16384xi32, #tpu.memory_space<vmem>>, vector<32x16384xi32>
    %convert_element_type3A = arith.sitofp %get3A_1 : vector<32x16384xi32> to vector<32x16384xf32>
    %get3A_2 = arith.constant 0 : index
    %get3A_3 = arith.constant 0 : index
    %get3A_4 = vector.load %arg4[%get3A_2, %get3A_3] : memref<4x32xf32, #tpu.memory_space<vmem>>, vector<4x32xf32>
    %dot_general3A = arith.constant dense<0.000000e+00> : vector<4x16384xf32>
    %dot_general3A_5 = tpu.matmul %get3A_4, %convert_element_type3A, %dot_general3A {dimension_numbers = #tpu.dot_dimension_numbers<[1], [0], [0], [1], [0, 0, 1, 1], [], []>, transpose_lhs_hint = false} : vector<4x32xf32>, vector<32x16384xf32>, vector<4x16384xf32> -> vector<4x16384xf32>
    %iota3A = tpu.iota {dimensions = array<i32: 0>} : vector<4x1xi32>
    %mul3A = arith.constant 256 : i32
    %mul3A_6 = vector.broadcast %mul3A : i32 to vector<4x1xi32>
    %mul3A_7 = arith.muli %iota3A, %mul3A_6 : vector<4x1xi32>
    %convert_element_type3A_8 = arith.fptosi %dot_general3A_5 : vector<4x16384xf32> to vector<4x16384xi32>
    %add3A = vector.broadcast %mul3A_7 : vector<4x1xi32> to vector<4x16384xi32>
    %add3A_9 = arith.addi %convert_element_type3A_8, %add3A : vector<4x16384xi32>
    %swap3A = arith.constant 0 : index
    %swap3A_10 = arith.constant 0 : index
    %swap3A_11 = vector.load %arg5[%swap3A, %swap3A_10] : memref<4x16384xi32, #tpu.memory_space<vmem>>, vector<4x16384xi32>
    tpu.vector_store %arg5[%swap3A, %swap3A_10], %add3A_9 {strides = array<i32>} : memref<4x16384xi32, #tpu.memory_space<vmem>>, vector<4x16384xi32>,
    %get3A_12 = arith.constant 0 : index
    %get3A_13 = arith.constant 0 : index
    %get3A_14 = arith.constant 0 : index
    %get3A_15 = vector.load %arg1[%get3A_12, %get3A_13, %get3A_14] : memref<32x2x128xf32, #tpu.memory_space<vmem>>, vector<32x1x128xf32>
    %get3A_16 = vector.shape_cast %get3A_15 : vector<32x1x128xf32> to vector<32x128xf32>
    %get3A_17 = arith.constant 0 : index
    %get3A_18 = arith.constant 1 : index
    %get3A_19 = arith.constant 0 : index
    %get3A_20 = vector.load %arg1[%get3A_17, %get3A_18, %get3A_19] : memref<32x2x128xf32, #tpu.memory_space<vmem>>, vector<32x1x128xf32>
    %get3A_21 = vector.shape_cast %get3A_20 : vector<32x1x128xf32> to vector<32x128xf32>
    %get3A_22 = arith.constant 0 : index
    %get3A_23 = arith.constant 0 : index
    %get3A_24 = vector.load %arg2[%get3A_22, %get3A_23] : memref<1024x32xf32, #tpu.memory_space<vmem>>, vector<1024x32xf32>
    %dot_general3A_25 = arith.constant dense<0.000000e+00> : vector<128x1024xf32>
    %dot_general3A_26 = tpu.matmul %get3A_16, %get3A_24, %dot_general3A_25 {dimension_numbers = #tpu.dot_dimension_numbers<[0], [1], [1], [0], [0, 1, 1, 0], [], []>, transpose_lhs_hint = false} : vector<32x128xf32>, vector<1024x32xf32>, vector<128x1024xf32> -> vector<128x1024xf32>
    %get3A_27 = arith.constant 0 : index
    %get3A_28 = arith.constant 0 : index
    %get3A_29 = vector.load %arg3[%get3A_27, %get3A_28] : memref<1024x32xf32, #tpu.memory_space<vmem>>, vector<1024x32xf32>
    %dot_general3A_30 = arith.constant dense<0.000000e+00> : vector<128x1024xf32>
    %dot_general3A_31 = tpu.matmul %get3A_21, %get3A_29, %dot_general3A_30 {dimension_numbers = #tpu.dot_dimension_numbers<[0], [1], [1], [0], [0, 1, 1, 0], [], []>, transpose_lhs_hint = false} : vector<32x128xf32>, vector<1024x32xf32>, vector<128x1024xf32> -> vector<128x1024xf32>
    %add3A_32 = arith.addf %dot_general3A_26, %dot_general3A_31 : vector<128x1024xf32>
    %convert_element_type3A_33 = arith.truncf %add3A_32 : vector<128x1024xf32> to vector<128x1024xbf16>
    %reshape3A = vector.shape_cast %convert_element_type3A_33 : vector<128x1024xbf16> to vector<2x64x1024xbf16>
    %slice3A = vector.extract_strided_slice %reshape3A {offsets = [0, 0, 0], sizes = [1, 64, 1024], strides = [1, 1, 1]} : vector<2x64x1024xbf16> to vector<1x64x1024xbf16>
    %squeeze3A = vector.shape_cast %slice3A : vector<1x64x1024xbf16> to vector<64x1024xbf16>
    %bitcast_convert_type3A = tpu.bitcast %squeeze3A : vector<64x1024xbf16> -> vector<64x1024xi16>
    %convert_element_type3A_34 = arith.extui %bitcast_convert_type3A : vector<64x1024xi16> to vector<64x1024xi32>
    %slice3A_35 = vector.extract_strided_slice %reshape3A {offsets = [1, 0, 0], sizes = [1, 64, 1024], strides = [1, 1, 1]} : vector<2x64x1024xbf16> to vector<1x64x1024xbf16>
    %squeeze3A_36 = vector.shape_cast %slice3A_35 : vector<1x64x1024xbf16> to vector<64x1024xbf16>
    %bitcast_convert_type3A_37 = tpu.bitcast %squeeze3A_36 : vector<64x1024xbf16> -> vector<64x1024xi16>
    %convert_element_type3A_38 = arith.extui %bitcast_convert_type3A_37 : vector<64x1024xi16> to vector<64x1024xi32>
    %shift_left3A = arith.constant 16 : i32
    %shift_left3A_39 = vector.broadcast %shift_left3A : i32 to vector<64x1024xi32>
    %shift_left3A_40 = arith.shli %convert_element_type3A_38, %shift_left3A_39 : vector<64x1024xi32>
    %or3A = arith.ori %convert_element_type3A_34, %shift_left3A_40 : vector<64x1024xi32>
    %bitcast_convert_type3A_41 = tpu.bitcast %or3A : vector<64x1024xi32> -> vector<64x1024xi32>
    %swap3A_42 = arith.constant 0 : index
    %swap3A_43 = arith.constant 0 : index
    %swap3A_44 = vector.load %arg6[%swap3A_42, %swap3A_43] : memref<64x1024xi32, #tpu.memory_space<vmem>>, vector<64x1024xi32>
    tpu.vector_store %arg6[%swap3A_42, %swap3A_43], %bitcast_convert_type3A_41 {strides = array<i32>} : memref<64x1024xi32, #tpu.memory_space<vmem>>, vector<64x1024xi32>,
    return
  }
}

</mosaic_0001>

<sc_bundles>
// kernel: kernel.4.cloned.1.call-start
scs
__scs_entry_jumppad:
0x0: {  	(pc) =	sbr.rel $0x88, $3  }
0x1: {  	(tag) =	ssettag $0x0;
	lr =	simm.s32 $0x1  }
0x2: {  	[smem:$0x3F9F] =	sst lr;
	_ =	strace $0xD0000000  }
0x3: {  	_ = 	snop  }
0x4: {  	_ = 	snop  }
0x5: {  	_ = 	snop  }
0x6: {  	_ = 	snop  }
0x7: {  	_ = 	snop  }
__scs_overlays_trampoline_lowered:
0x8: {  	[smem:$0x3FAE] =	sst s0  }
0x9: {  	[smem:$0x3FAF] =	sst s1  }
0xa: {  	[smem:$0x3FB0] =	sst s2  }
0xb: {  	[smem:$0x3FB1] =	sst s3  }
0xc: {  	[smem:$0x3FB2] =	sst s4  }
0xd: {  	[smem:$0x3FB3] =	sst s5  }
0xe: {  	[smem:$0x3FB4] =	sst s6  }
0xf: {  	[smem:$0x3FB5] =	sst s7  }
0x10: {  	[smem:$0x3FB6] =	sst s8  }
0x11: {  	[smem:$0x3FB7] =	sst s9;
	s0 =	simm.s32 @!p0 $0x0  }
0x12: {  	s1 =	sld [smem:$0x3F9D];
	s0 =	simm.s32 @p0 $0x1  }
0x13: {  	[smem:$0x3FB8] =	sst s0;
	s0 =	simm.s32 @!p1 $0x0  }
0x14: {  	s2 =	sld [smem:$0x3F9C];
	s0 =	simm.s32 @p1 $0x1  }
0x15: {  	[smem:$0x3FB9] =	sst s0;
	s0 =	simm.s32 @!p2 $0x0  }
0x16: {  	s3 =	sld [smem:$0x3FDB];
	s0 =	simm.s32 @p2 $0x1  }
0x17: {  	s4 =	simm.s32 $0x1BF5;
	[smem:$0x3FBB] =	sst s0  }
0x18: {  	s0 =	sld [smem:$0x3F9E];
	_ =	swait.ge [sflag:s4], $0x0  }
0x19: {  	s7 =	sld [smem:$0x3F9F]  }
0x1a: {  	s8 =	sadd.s32 $0xFFFFE003, lr  }
0x1b: {  	s9 =	sadd.s32 $0xFFFFFEF7, lr;
	s5 =	simm.s32 $0xFFFFFFFF;
	p2 =	slt.u32 s8, $0xFFFFF086  }
0x1c: {  	p1 =	slt.u32 s9, $0xF7A;
	s5 =	simm.s32 @!p2 $0x0  }
0x1d: {  	s5 =	simm.s32 @p1 $0x1;
	p0 =	seq.s32 s7, s2  }
0x1e: {  	s7 =	smul.u32 @!p0 $0xF7A, s2;
	p2 =	seq.s32 @!p0 s5, $0x0  }
0x1f: {  	s9 =	smul.u32 $0xF7A, s1;
	s8 =	simm.s32 @!p0 $0x1BF5;
	p2 =	por !p2, p0  }
0x20: {  	[sflag:s8] =	ssyncset.s32 @!p0 $0xFFFFF086;
	s6 =	sadd.s32 @!p0 s3, s7;
	s7 =	simm.s32 @!p0 $0x108  }
0x21: {  	s3 =	sadd.s32 s3, s9;
	s6 =	sadd.s32 @!p0 $0x88, s6;
	s7 =	simm.s32 @p2 $0x1082  }
0x22: {  	[simem:s7], [sflag:s8] =	dma.local @!p0 [hbm:s6], $0xF7A  }
0x23: {  	s9 =	sor.u32 $0xD0000000, s2;
	s6 =	simm.s32 $0x108;
	_ =	swait.ge @!p0 [sflag:s8], $0x0  }
0x24: {  	s3 =	sadd.s32 $0x88, s3;
	s6 =	simm.s32 @!p1 $0x1082;
	[sflag:s4] =	ssyncset.s32 $0xFFFFF086  }
0x25: {  	[simem:s6], [sflag:s4] =	dma.local [hbm:s3], $0xF7A  }
0x26: {  	[smem:$0x3F9F] =	sst s1;
	(tag) =	ssettag s2;
	_ =	strace s9  }
0x27: {  	s1 =	sld [smem:$0x3FAF]  }
0x28: {  	s2 =	sld [smem:$0x3FB0]  }
0x29: {  	s4 =	sld [smem:$0x3FB2]  }
0x2a: {  	p0 =	seq.s32 s5, $0x0;
	s5 =	sld [smem:$0x3FB3]  }
0x2b: {  	s6 =	sld [smem:$0x3FB4]  }
0x2c: {  	s7 =	sld [smem:$0x3FB5]  }
0x2d: {  	s3 =	simm.s32 $0x108;
	s8 =	sld [smem:$0x3FB6]  }
0x2e: {  	s3 =	simm.s32 @!p0 $0x1082;
	s9 =	sld [smem:$0x3FB7]  }
0x2f: {  	lr =	sadd.s32 s0, s3;
	s0 =	sld [smem:$0x3FAE]  }
0x30: {  	s3 =	sld [smem:$0x3FB1]  }
0x31: {  	[smem:$0x3FBA] =	sst s10  }
0x32: {  	s10 =	sld [smem:$0x3FB8];
	_ =	sdelay $0x3  }
0x33: {  	p0 =	seq.s32 s10, $0x1;
	s10 =	sld [smem:$0x3FBA];
	_ =	sdelay $0x3  }
0x34: {  	[smem:$0x3FBA] =	sst s10  }
0x35: {  	s10 =	sld [smem:$0x3FB9];
	_ =	sdelay $0x3  }
0x36: {  	p1 =	seq.s32 s10, $0x1;
	s10 =	sld [smem:$0x3FBA];
	_ =	sdelay $0x3  }
0x37: {  	[smem:$0x3FBA] =	sst s10  }
0x38: {  	s10 =	sld [smem:$0x3FBB]  }
0x39: {  	_ = 	snop;
	(pc) =	sbr.ind lr, $3  }
0x3a: {  	_ = 	snop  }
0x3b: {  	_ = 	snop  }
0x3c: {  	p2 =	seq.s32 s10, $0x1;
	s10 =	sld [smem:$0x3FBA]  }
0x3d: {  	_ =	shalt  }
0x3e: {  	_ =	shalt  }
0x3f: {  	_ =	shalt  }
0x40: {  	_ =	shalt  }
0x41: {  	_ =	shalt  }
0x42: {  	_ =	shalt  }
0x43: {  	_ =	shalt  }
0x44: {  	_ =	shalt  }
0x45: {  	_ =	shalt  }
0x46: {  	_ =	shalt  }
0x47: {  	_ =	shalt  }
0x48: {  	_ =	shalt  }
0x49: {  	_ =	shalt  }
0x4a: {  	_ =	shalt  }
0x4b: {  	_ =	shalt  }
0x4c: {  	_ =	shalt  }
0x4d: {  	_ =	shalt  }
0x4e: {  	_ =	shalt  }
0x4f: {  	_ =	shalt  }
0x50: {  	_ =	shalt  }
0x51: {  	_ =	shalt  }
0x52: {  	_ =	shalt  }
0x53: {  	_ =	shalt  }
0x54: {  	_ =	shalt  }
0x55: {  	_ =	shalt  }
0x56: {  	_ =	shalt  }
0x57: {  	_ =	shalt  }
0x58: {  	_ =	shalt  }
0x59: {  	_ =	shalt  }
0x5a: {  	_ =	shalt  }
0x5b: {  	_ =	shalt  }
0x5c: {  	_ =	shalt  }
0x5d: {  	_ =	shalt  }
0x5e: {  	_ =	shalt  }
0x5f: {  	_ =	shalt  }
0x60: {  	_ =	shalt  }
0x61: {  	_ =	shalt  }
0x62: {  	_ =	shalt  }
0x63: {  	_ =	shalt  }
0x64: {  	_ =	shalt  }
0x65: {  	_ =	shalt  }
0x66: {  	_ =	shalt  }
0x67: {  	_ =	shalt  }
0x68: {  	_ =	shalt  }
0x69: {  	_ =	shalt  }
0x6a: {  	_ =	shalt  }
0x6b: {  	_ =	shalt  }
0x6c: {  	_ =	shalt  }
0x6d: {  	_ =	shalt  }
0x6e: {  	_ =	shalt  }
0x6f: {  	_ =	shalt  }
0x70: {  	_ =	shalt  }
0x71: {  	_ =	shalt  }
0x72: {  	_ =	shalt  }
0x73: {  	_ =	shalt  }
0x74: {  	_ =	shalt  }
0x75: {  	_ =	shalt  }
0x76: {  	_ =	shalt  }
0x77: {  	_ =	shalt  }
0x78: {  	_ =	shalt  }
0x79: {  	_ =	shalt  }
0x7a: {  	_ =	shalt  }
0x7b: {  	_ =	shalt  }
0x7c: {  	_ =	shalt  }
0x7d: {  	_ =	shalt  }
0x7e: {  	_ =	shalt  }
0x7f: {  	_ =	shalt  }
0x80: {  	_ =	shalt  }
0x81: {  	_ =	shalt  }
0x82: {  	_ =	shalt  }
0x83: {  	_ =	shalt  }
0x84: {  	_ =	shalt  }
0x85: {  	_ =	shalt  }
0x86: {  	_ =	shalt  }
0x87: {  	_ =	shalt  }
.Lfunc_end0:
.L_simem_size_0:
called_computation_lowered:
.L_overlay_start_0:
0x88: {  	s2 =	sld [smem:$0x3FD9]  }
0x89: {  	s3 =	sld [smem:$0x3FFE];
	_ =	sdelay $0x1  }
0x8a: {  	s1 =	srdreg.scid  }
0x8b: {  	s0 =	sand.u32 $0x1, s1  }
0x8c: {  	s17 =	sshll.u32 s0, $0xA;
	s2 =	sadd.s32 s3, s2  }
0x8d: {  	s2 =	sadd.s32 s2, s17  }
0x8e: {  	[smem:$0x3FC6] =	sst s2  }
0x8f: {  	_ = 	snop  }
0x90: {  	s2 =	sld [smem:$0x3FD0];
	(tm) =	ssettm $0x1  }
0x91: {  	s18 =	sld [smem:$0x3FFB];
	_ =	sdelay $0x3  }
0x92: {  	_ =	strace s18  }
0x93: {  	s3 =	sld [smem:$0x3FFC];
	_ =	sdelay $0x3  }
0x94: {  	_ =	strace s3  }
0x95: {  	s3 =	sld [smem:$0x3FFD];
	_ =	sdelay $0x3  }
0x96: {  	_ =	strace s3  }
0x97: {  	_ =	strace $0x8FFFFFFF  }
0x98: {  	s19 =	sld [smem:$0x3FDB];
	_ =	sdelay $0x1  }
0x99: {  	s4 =	simm.s32 $_scs_section_size  }
0x9a: {  	s5 =	simm.s32 $_size__tile_overlayer_lowered;
	s6 =	simm.s32 $_tile_overlayer_lowered  }
0x9b: {  	s22 =	simm.s32 $0x1BFF;
	s21 =	sshll.u32 s6, $0x1;
	s3 =	sadd.s32 s4, s19  }
0x9c: {  	s7 =	simm.s32 $0x0;
	s20 =	sshll.u32 s5, $0x1;
	s5 =	sadd.s32 s21, s3  }
0x9d: {  	[timem:s7], [sflag:s22] =	dma.local [hbm:s5], s20  }
0x9e: {  	_ =	swait.ge [sflag:s22], s20  }
0x9f: {  	s4 =	ssub.s32 $0x0, s20;
	[sflag:s22] =	ssyncset.done $0x0  }
0xa0: {  	[sflag:s22] =	ssyncadd.s32 s4;
	_ =	sdelay $0x1  }
0xa1: {  	s23 =	simm.s32 $0x1B8B  }
0xa2: {  	_ =	swait.ge [sflag:s23], $0x1  }
0xa3: {  	[sflag:s23] =	ssyncset.done $0x0  }
0xa4: {  	s25 =	simm.s32 $0x1B8E;
	s24 =	sld [smem:$0x3FFE];
	[sflag:s23] =	ssyncadd.s32 $0xFFFFFFFF  }
0xa5: {  	s26 =	simm.s32 $execute0_lowered;
	[smem:$0x3FD2] =	sst s25  }
0xa6: {  	s5 =	sshll.u32 s26, $0x1;
	_ =	strace $0x80000046;
	[dreg:$0x1] =	wrdreg $0xFFFFFFFF  }
0xa7: {  	s28 =	simm.s32 $_size_execute0_lowered;
	s3 =	sadd.s32 s3, s5;
	[dreg:$0x0] =	wrdreg $0x0  }
0xa8: {  	s5 =	sshll.u32 s28, $0x1;
	[dreg:$0x2] =	wrdreg s3  }
0xa9: {  	[dreg:$0x3] =	wrdreg s5  }
0xaa: {  	[dreg:$0x4] =	wrdreg $0xC0  }
0xab: {  	_ =	task [dreg:s7], $0x5FFFF  }
0xac: {  	[dreg:$0x1] =	wrdreg $0xFFFFFFFF  }
0xad: {  	[dreg:$0x0] =	wrdreg $0x60  }
0xae: {  	[dreg:$0x2] =	wrdreg s24  }
0xaf: {  	[dreg:$0x3] =	wrdreg s2  }
0xb0: {  	[dreg:$0x4] =	wrdreg $0x9  }
0xb1: {  	_ =	task.clear_ibuf [dreg:s7], $0x5FFFF;
	_ =	strace $0x90000046  }
0xb2: {  	s29 =	simm.s32 $0x9;
	_ =	strace $0x80000048  }
0xb3: {  	_ =	swait.ge [sflag:s29], $0x1  }
0xb4: {  	[sflag:s29] =	ssyncadd.s32 $0xFFFFFFFF  }
0xb5: {  	_ =	strace $0x90000048  }
0xb6: {  	_ =	sfence  }
0xb7: {  	s30 =	sld [smem:$0x0];
	_ =	sdelay $0x2  }
0xb8: {  	s31 =	sshll.u32 s1, $0xD;
	s1 =	sshrl.u32 s1, $0x2  }
0xb9: {  	s3 =	sand.u32 $0x4000, s31;
	s1 =	sadd.s32 s1, s30  }
0xba: {  	s0 =	sor.u32 s3, s0;
	s1 =	sshll.u32 s1, $0x11  }
0xbb: {  	s0 =	sor.u32 s1, s0  }
0xbc: {  	s0 =	sadd.s32 $0x8F2B, s0  }
0xbd: {  	[sflag:s0] =	ssyncadd.remote.s32 $0x1  }
0xbe: {  	_ =	sfence.sel $0xFFFF  }
0xbf: {  	[dreg:$0x0] =	wrdreg $0xFFFFFFFF;
	(pc) =	sbr.abs _section_cstart, $3  }
0xc0: {  	[dreg:$0x1] =	wrdreg $0xFFFFFFFF  }
0xc1: {  	_ =	task.clear_ibuf [dreg:s7], $0x2FFFF;
	_ =	strace $0x9FFFFFFF  }
0xc2: {  	(tm) =	ssettm $0x7FFFFFFF  }
0xc3: {  	_ =	shalt  }
tec
execute0_lowered:
.L_overlay_start_1:
0x0: {  	(tag) =	ssettag $0x1  }
0x1: {  	s0 =	rddreg [dreg:$0x0]  }
0x2: {  	s1 =	rddreg [dreg:$0x1];
	s2 =	srdreg.scid  }
0x3: {  	s4 =	stileid.u32;
	s10 =	simm.s32 $0x3;
	s11 =	simm.s32 $0x10800  }
0x4: {  	s13 =	simm.s32 $0x1;
	s15 =	simm.s32 $0x2;
	s17 =	simm.s32 $0x12C00  }
0x5: {  	s18 =	simm.s32 $0x0;
	s3 =	sand.u32 $0x1, s2;
	s2 =	simm.s32 $0x0  }
0x6: {  	s4 =	sshll.u32 s4, $0xA;
	s26 =	sadd.s32 $0x3200, s0;
	s5 =	sshll.u32 s3, $0x9  }
0x7: {  	[smem:$0x7FF] =	sst s2;
	s25 =	ssub.s32 $0x2, s3;
	s8 =	sor.u32 s5, s4  }
0x8: {  	_ =	strace $0x80000047;
	[dreg:$0x3] =	wrdreg s26;
	s28 =	sshrl.u32 s25, $0x1  }
0x9: {  	s4 =	sshrl.u32 s8, $0x1;
	s9 =	ssub.s32 s25, s28;
	s29 =	sshll.u32 s8, $0x4  }
0xa: {  	s0 =	sadd.s32 s4, s0;
	s30 =	smax.u32 s9, $0x1;
	s9 =	sadd.s32 s1, s29  }
0xb: {  	s4 =	sadd.s32 $0x1200, s0;
	s5 =	sadd.s32 $0x1210, s0;
	s6 =	sadd.s32 $0x1220, s0  }
0xc: {  	s7 =	sadd.s32 $0x1230, s0;
	[dreg:$0x4] =	wrdreg s30;
	s31 =	sadd.s32 $0x40, s4  }
0xd: {  	v0 =	vlaneseq.u32;
	s14 =	sadd.s32 $0x80, s4;
	s16 =	sadd.s32 $0xC0, s4;
	s19 =	sadd.s32 $0x40, s5  }
0xe: {  	v0 =	vmul.u32 $0x10, v0;
	s21 =	sadd.s32 $0x80, s5;
	s23 =	sadd.s32 $0xC0, s5;
	[dreg:$0x5] =	wrdreg s31  }
.LBB2_1:
0xf: {  	s0 =	rddreg [dreg:$0x3]  }
0x10: {  	[tilespmem:s2], [sflag:$0x3] =	stream.linear.gather [hbm4b:s0+s2], $0x10000, $0x38;
	[tilespmem:$0x14C00] =	vst v63  }
0x11: {  	_ =	swait.ge [sflag:s10], $0x10000  }
0x12: {  	[sflag:s10] =	ssyncset.done $0x0  }
0x13: {  	s20 =	simm.s32 $0x10000;
	[sflag:s10] =	ssyncadd.s32 $0xFFFF0000  }
0x14: {  	[tilespmem:s20], [sflag:$0x3] =	stream.linear.gather [hbm4b:s4+s2], $0x80, $0x38;
	[tilespmem:$0x14C00] =	vst v63  }
0x15: {  	s1 =	simm.s32 $0x10200;
	s22 =	rddreg [dreg:$0x5]  }
0x16: {  	[tilespmem:s1], [sflag:$0x3] =	stream.linear.gather [hbm4b:s22+s2], $0x80, $0x38;
	[tilespmem:$0x14C00] =	vst v63  }
0x17: {  	s24 =	simm.s32 $0x10400  }
0x18: {  	[tilespmem:s24], [sflag:$0x3] =	stream.linear.gather [hbm4b:s14+s2], $0x80, $0x38;
	[tilespmem:$0x14C00] =	vst v63  }
0x19: {  	s25 =	simm.s32 $0x10600  }
0x1a: {  	[tilespmem:s25], [sflag:$0x3] =	stream.linear.gather [hbm4b:s16+s2], $0x80, $0x38;
	[tilespmem:$0x14C00] =	vst v63  }
0x1b: {  	_ =	swait.ge [sflag:s10], $0x200  }
0x1c: {  	[sflag:s10] =	ssyncset.done $0x0  }
0x1d: {  	s26 =	simm.s32 $0x10080;
	[sflag:s10] =	ssyncadd.s32 $0xFFFFFE00  }
0x1e: {  	[tilespmem:s26], [sflag:$0x3] =	stream.linear.gather [hbm4b:s5+s2], $0x80, $0x38;
	[tilespmem:$0x14C00] =	vst v63  }
0x1f: {  	s28 =	simm.s32 $0x10280  }
0x20: {  	[tilespmem:s28], [sflag:$0x3] =	stream.linear.gather [hbm4b:s19+s2], $0x80, $0x38;
	[tilespmem:$0x14C00] =	vst v63  }
0x21: {  	s29 =	simm.s32 $0x10480  }
0x22: {  	[tilespmem:s29], [sflag:$0x3] =	stream.linear.gather [hbm4b:s21+s2], $0x80, $0x38;
	[tilespmem:$0x14C00] =	vst v63  }
0x23: {  	s30 =	simm.s32 $0x10680  }
0x24: {  	[tilespmem:s30], [sflag:$0x3] =	stream.linear.gather [hbm4b:s23+s2], $0x80, $0x38;
	[tilespmem:$0x14C00] =	vst v63  }
0x25: {  	_ =	swait.ge [sflag:s10], $0x200  }
0x26: {  	[sflag:s10] =	ssyncset.done $0x0  }
0x27: {  	s31 =	simm.s32 $0x10100;
	[sflag:s10] =	ssyncadd.s32 $0xFFFFFE00  }
0x28: {  	[tilespmem:s31], [sflag:$0x3] =	stream.linear.gather [hbm4b:s6+s2], $0x80, $0x38;
	[tilespmem:$0x14C00] =	vst v63  }
0x29: {  	s20 =	sadd.s32 $0x40, s6;
	s1 =	simm.s32 $0x10300  }
0x2a: {  	[tilespmem:s1], [sflag:$0x3] =	stream.linear.gather [hbm4b:s20+s2], $0x80, $0x38;
	[tilespmem:$0x14C00] =	vst v63  }
0x2b: {  	s3 =	sadd.s32 $0x80, s6;
	s8 =	simm.s32 $0x10500  }
0x2c: {  	[tilespmem:s8], [sflag:$0x3] =	stream.linear.gather [hbm4b:s3+s2], $0x80, $0x38;
	[tilespmem:$0x14C00] =	vst v63  }
0x2d: {  	s12 =	sadd.s32 $0xC0, s6;
	s22 =	simm.s32 $0x10700  }
0x2e: {  	[tilespmem:s22], [sflag:$0x3] =	stream.linear.gather [hbm4b:s12+s2], $0x80, $0x38;
	[tilespmem:$0x14C00] =	vst v63  }
0x2f: {  	_ =	swait.ge [sflag:s10], $0x200  }
0x30: {  	[sflag:s10] =	ssyncset.done $0x0  }
0x31: {  	s24 =	simm.s32 $0x10180;
	[sflag:s10] =	ssyncadd.s32 $0xFFFFFE00  }
0x32: {  	[tilespmem:s24], [sflag:$0x3] =	stream.linear.gather [hbm4b:s7+s2], $0x80, $0x38;
	[tilespmem:$0x14C00] =	vst v63  }
0x33: {  	s25 =	sadd.s32 $0x40, s7;
	s26 =	simm.s32 $0x10380  }
0x34: {  	[tilespmem:s26], [sflag:$0x3] =	stream.linear.gather [hbm4b:s25+s2], $0x80, $0x38;
	[tilespmem:$0x14C00] =	vst v63  }
0x35: {  	s28 =	sadd.s32 $0x80, s7;
	s29 =	simm.s32 $0x10580  }
0x36: {  	[tilespmem:s29], [sflag:$0x3] =	stream.linear.gather [hbm4b:s28+s2], $0x80, $0x38;
	[tilespmem:$0x14C00] =	vst v63  }
0x37: {  	s30 =	sadd.s32 $0xC0, s7;
	s31 =	simm.s32 $0x10780  }
0x38: {  	[tilespmem:s31], [sflag:$0x3] =	stream.linear.gather [hbm4b:s30+s2], $0x80, $0x38;
	[tilespmem:$0x14C00] =	vst v63  }
0x39: {  	_ =	swait.ge [sflag:s10], $0x200  }
0x3a: {  	[sflag:s10] =	ssyncset.done $0x0  }
0x3b: {  	s20 =	simm.s32 $0x0;
	[sflag:s10] =	ssyncadd.s32 $0xFFFFFE00  }
.LBB2_2:
0x3c: {  	s24 =	sand.u32 $0x3, s20;
	p0 =	slt.u32 s20, $0x8  }
0x3d: {  	p1 =	sne.s32 @!p0 s24, $0x0  }
0x3e: {  	s22 =	sshrl.u32 s20, $0x2;
	p2 =	por p1, p0  }
0x3f: {  	s25 =	sand.u32 @!p2 $0x1, s22  }
0x40: {  	p3 =	seq.s32 @!p2 s25, $0x1  }
0x41: {  	p1 =	por @!p0 !p3, p1  }
0x42: {  	s25 =	simm.s32 @!p2 $0x2;
	p0 =	por !p1, p0  }
0x43: {  	s25 =	simm.s32 @!p0 $0x1  }
0x44: {  	s26 =	sshll.u32 s20, $0x4;
	s28 =	sshll.u32 s20, $0x6;
	_ =	swait.ge @!p2 [sflag:s25], $0x2000  }
0x45: {  	s26 =	sand.u32 $0x70, s26;
	s28 =	sand.u32 $0x600, s28;
	[sflag:s25] =	ssyncset.done @!p2 $0x0  }
0x46: {  	s30 =	sor.u32 s26, s28;
	[sflag:s25] =	ssyncadd.s32 @!p2 $0xFFFFE000  }
0x47: {  	v1 =	vld [tilespmem:s30+$0x10000]  }
0x48: {  	v2 =	vld [tilespmem:s30+$0x10080]  }
0x49: {  	v3 =	vld [tilespmem:s30+$0x10100]  }
0x4a: {  	v4 =	vld [tilespmem:s30+$0x10180];
	_ =	sdelay $0x3  }
0x4b: {  	s31 =	simm.s32 $0x400  }
0x4c: {  	v6 =	vld.idx.msk [tilespmem:v1+s31+$0x0], $0xffff  }
0x4d: {  	v7 =	vld.idx.msk [tilespmem:v2+s31+$0x0], $0xffff  }
0x4e: {  	v8 =	vld.idx.msk [tilespmem:v3+s31+$0x0], $0xffff  }
0x4f: {  	v9 =	vld.idx.msk [tilespmem:v4+s31+$0x0], $0xffff  }
0x50: {  	v10 =	vld.idx.msk [tilespmem:v2+s31+$0xFFFFFC00], $0xffff  }
0x51: {  	v11 =	vld.idx.msk [tilespmem:v3+s31+$0xFFFFFC00], $0xffff  }
0x52: {  	v13 =	vld.idx.msk [tilespmem:v4+s31+$0xFFFFFC00], $0xffff  }
0x53: {  	s29 =	simm.s32 $0xC00;
	v14 =	vld.idx.msk [tilespmem:v1+s31+$0xFFFFFC00], $0xffff  }
0x54: {  	v12 =	vld.idx.msk [tilespmem:v1+s29+$0x0], $0xffff  }
0x55: {  	v5 =	vld.idx.msk [tilespmem:v2+s29+$0x0], $0xffff  }
0x56: {  	v7 =	vadd.bf16 v7, v6;
	v6 =	vld.idx.msk [tilespmem:v3+s29+$0x0], $0xffff  }
0x57: {  	v8 =	vadd.bf16 v9, v8;
	v9 =	vld.idx.msk [tilespmem:v4+s29+$0x0], $0xffff  }
0x58: {  	v14 =	vadd.bf16 v10, v14;
	v10 =	vld.idx.msk [tilespmem:v4+s29+$0xFFFFFC00], $0xffff  }
0x59: {  	v13 =	vadd.bf16 v13, v11;
	v15 =	vadd.bf16 v8, v7;
	v7 =	vld.idx.msk [tilespmem:v2+s29+$0xFFFFFC00], $0xffff  }
0x5a: {  	s28 =	simm.s32 $0x10810;
	v11 =	vld.idx.msk [tilespmem:v1+s29+$0xFFFFFC00], $0xffff  }
0x5b: {  	s26 =	simm.s32 $0x2;
	s25 =	sand.u32 $0x1, s22;
	v8 =	vld.idx.msk [tilespmem:v3+s29+$0xFFFFFC00], $0xffff;
	s29 =	simm.s32 $0x1400;
	v13 =	vadd.bf16 v13, v14;
	[tilespmem:s28+$0x0] =	vst v15  }
.LBB2_3:
0x5c: {  	v14 =	vld.idx.msk [tilespmem:v1+s29+$0x0], $0xffff  }
0x5d: {  	v12 =	vadd.bf16 v5, v12;
	v15 =	vadd.bf16 v9, v6;
	s26 =	sadd.s32 $0x2, s26;
	v5 =	vld.idx.msk [tilespmem:v2+s29+$0x0], $0xffff;
	[tilespmem:s28+$0xFFFFFFF0] =	vst v13  }
0x5e: {  	v13 =	vmov v7;
	p0 =	slt.u32 s26, $0x3E;
	v6 =	vld.idx.msk [tilespmem:v3+s29+$0x0], $0xffff  }
.Ltmp0:
0x5f: {  	v16 =	vadd.bf16 v15, v12;
	v9 =	vld.idx.msk [tilespmem:v4+s29+$0x0], $0xffff;
	(pc) =	sbr.rel @p0 .LBB2_3-.Ltmp0, $4  }
0x60: {  	s28 =	sadd.s32 $0x20, s28;
	v15 =	vadd.bf16 v10, v8;
	v7 =	vld.idx.msk [tilespmem:v2+s29+$0xFFFFFC00], $0xffff  }
0x61: {  	v13 =	vadd.bf16 v13, v11;
	v8 =	vld.idx.msk [tilespmem:v3+s29+$0xFFFFFC00], $0xffff;
	[tilespmem:s28+$0x0] =	vst v16  }
0x62: {  	v12 =	vmov v14;
	v10 =	vld.idx.msk [tilespmem:v4+s29+$0xFFFFFC00], $0xffff  }
0x63: {  	v13 =	vadd.bf16 v15, v13;
	v11 =	vld.idx.msk [tilespmem:v1+s29+$0xFFFFFC00], $0xffff;
	s29 =	sadd.s32 $0x800, s29  }
0x64: {  	_ =	sdelay $0x1  }
0x65: {  	s26 =	simm.s32 $0x0  }
0x66: {  	v1 =	vadd.bf16 v5, v12;
	v2 =	vadd.bf16 v9, v6;
	s31 =	sand.u32 $0x2, s26  }
0x67: {  	s29 =	sshll.u32 s31, $0x8;
	v3 =	vadd.bf16 v10, v8;
	v4 =	vadd.bf16 v7, v11  }
0x68: {  	v1 =	vadd.bf16 v2, v1;
	s29 =	sadd.s32 $0x0, s29  }
0x69: {  	[tilespmem:s28+$0xFFFFFFF0] =	vst v13;
	s28 =	sadd.s32 $0x20, s28;
	v63 =	vor.u32 s29, v0;
	v2 =	vadd.bf16 v3, v4  }
0x6a: {  	[tilespmem:s28+$0x0] =	vst v1  }
0x6b: {  	s29 =	sshll.u32 s24, $0x4;
	[tilespmem:s28+$0xFFFFFFF0] =	vst v2;
	s28 =	sshll.u32 s25, $0x6  }
0x6c: {  	s28 =	sor.u32 s29, s28  }
0x6d: {  	s29 =	sadd.s32 $0x0, s28  }
0x6e: {  	v2 =	vld.idx.msk [tilespmem:v63+s11+$0x0], $0xffff;
	s30 =	sshll.u32 s29, $0x7;
	s29 =	sor.u32 $0x1, s31  }
0x6f: {  	s0 =	sshll.u32 s29, $0x8  }
0x70: {  	s0 =	sadd.s32 $0x0, s0  }
0x71: {  	s30 =	sand.u32 $0x3FFFFF80, s30;
	v1 =	vor.u32 s0, v0  }
0x72: {  	s31 =	sshll.u32 s31, $0x4;
	s30 =	sadd.s32 $0x10C00, s30  }
0x73: {  	v3 =	vunpack.i.u.bf16.f32 v2;
	s31 =	sor.u32 s31, s30  }
0x74: {  	v2 =	vunpack.i.l.bf16.f32 v2;
	[tilespmem:s31+$0x40] =	vst v3  }
.LBB2_5:
0x75: {  	s26 =	sadd.s32 $0x2, s26;
	[tilespmem:s31+$0x0] =	vst v2  }
0x76: {  	s0 =	sand.u32 $0x2, s26;
	p0 =	slt.u32 s26, $0x3E;
	v1 =	vld.idx.msk [tilespmem:v1+s11+$0x0], $0xffff  }
0x77: {  	s31 =	sshrl.u32 s26, $0x2;
	s1 =	sshll.u32 s0, $0x8;
	s3 =	sor.u32 $0x1, s0  }
0x78: {  	s8 =	sadd.s32 s28, s31;
	s1 =	sadd.s32 s31, s1;
	s12 =	sshll.u32 s3, $0x8  }
0x79: {  	v2 =	vor.u32 s1, v0;
	s1 =	sshll.u32 s8, $0x7;
	s8 =	sadd.s32 s31, s12  }
0x7a: {  	s1 =	sand.u32 $0x3FFFFF80, s1  }
0x7b: {  	s12 =	sshll.u32 s29, $0x4;
	s29 =	smov.u32 s3;
	s1 =	sadd.s32 $0x10C00, s1  }
0x7c: {  	s3 =	sor.u32 s12, s30;
	v3 =	vunpack.i.u.bf16.f32 v1;
	v1 =	vunpack.i.l.bf16.f32 v1;
	s30 =	smov.u32 s1  }
0x7d: {  	[tilespmem:s3+$0x0] =	vst v1  }
0x7e: {  	[tilespmem:s3+$0x40] =	vst v3  }
0x7f: {  	v2 =	vld.idx.msk [tilespmem:v2+s11+$0x0], $0xffff;
	_ =	sdelay $0x2  }
.Ltmp1:
0x80: {  	(pc) =	sbr.rel @p0 .LBB2_5-.Ltmp1, $4  }
0x81: {  	v1 =	vor.u32 s8, v0  }
0x82: {  	s0 =	sshll.u32 s0, $0x4  }
0x83: {  	s31 =	sor.u32 s0, s30;
	v3 =	vunpack.i.u.bf16.f32 v2;
	v2 =	vunpack.i.l.bf16.f32 v2  }
0x84: {  	[tilespmem:s31+$0x40] =	vst v3  }
0x85: {  	_ =	sdelay $0x2  }
0x86: {  	[tilespmem:s31+$0x0] =	vst v2  }
0x87: {  	v1 =	vld.idx.msk [tilespmem:v1+s11+$0x0], $0xffff;
	_ =	sdelay $0x2  }
0x88: {  	p0 =	sne.s32 s24, $0x3  }
0x89: {  	s0 =	sshll.u32 s29, $0x4;
	s1 =	sand.u32 @!p0 $0x1, s22  }
0x8a: {  	s0 =	sor.u32 s0, s30;
	p1 =	seq.s32 @!p0 s1, $0x1;
	v2 =	vunpack.i.l.bf16.f32 v1  }
0x8b: {  	s1 =	sshll.u32 @!p0 s22, $0xA;
	p2 =	por p1, p0;
	v1 =	vunpack.i.u.bf16.f32 v1;
	[tilespmem:s0+$0x0] =	vst v2  }
0x8c: {  	s22 =	sadd.s32 @!p0 s9, s1;
	s1 =	simm.s32 @!p2 $0x10C00;
	[tilespmem:s0+$0x40] =	vst v1;
	s0 =	simm.s32 @!p2 $0x0  }
0x8d: {  	[hbm4b:s22+s0] =	stream.linear.scatter @!p2 [tilespmem:s1], [sflag:$0x1], $0x2000, $0x38;
	[tilespmem:$0x14C00] =	vst v63  }
0x8e: {  	p2 =	seq.s32 @!p2 s25, $0x0  }
0x8f: {  	p1 =	por @!p0 p1, !p2  }
0x90: {  	s20 =	sadd.s32 $0x1, s20;
	p0 =	por p0, !p1  }
0x91: {  	[hbm4b:s22+s2] =	stream.linear.scatter @!p0 [tilespmem:s17], [sflag:$0x2], $0x2000, $0x38;
	[tilespmem:$0x14C00] =	vst v63  }
0x92: {  	p0 =	sne.s32 s20, $0x20  }
.Ltmp2:
0x93: {  	_ = 	snop;
	(pc) =	sbr.rel @p0 .LBB2_2-.Ltmp2, $1  }
0x94: {  	_ =	sdelay $0x3  }
0x95: {  	_ =	swait.ge [sflag:s13], $0x2000  }
0x96: {  	[sflag:s13] =	ssyncset.done $0x0  }
0x97: {  	[sflag:s13] =	ssyncadd.s32 $0xFFFFE000  }
0x98: {  	_ =	swait.ge [sflag:s15], $0x2000  }
0x99: {  	s18 =	sadd.s32 $0x1, s18;
	s0 =	rddreg [dreg:$0x4]  }
0x9a: {  	p0 =	sne.s32 s18, s0  }
.Ltmp3:
0x9b: {  	_ = 	snop;
	(pc) =	sbr.rel @p0 .LBB2_1-.Ltmp3, $3  }
0x9c: {  	_ =	sdelay $0x1  }
0x9d: {  	[sflag:s15] =	ssyncset.done $0x0  }
0x9e: {  	[sflag:s15] =	ssyncadd.s32 $0xFFFFE000  }
0x9f: {  	_ =	sfence.sel $0x180000  }
0xa0: {  	[bflag:$0x0] =	sbarrier.arrive $0xFFFF  }
0xa1: {  	_ =	strace $0x90000047  }
0xa2: {  	s0 =	stileid.u32;
	[bflag:$0x2] =	sbarrier.arrive $0xFFFF  }
0xa3: {  	p0 =	sne.s32 s0, $0x0;
	s0 =	rddreg [dreg:$0x2]  }
0xa4: {  	s0 =	sadd.s32 @!p0 $0x100000, s0  }
0xa5: {  	[sflag:s0] =	ssyncadd.tile.s32 @!p0 $0x1;
	_ =	shalt  }
.Lfunc_end2:
_tile_overlayer_lowered:
.L_overlay_start_2:
0xa6: {  	(tag) =	ssettag $0x2  }
0xa7: {  	s0 =	rddreg [dreg:$0x0];
	s2 =	stileid.u32  }
0xa8: {  	s1 =	rddreg [dreg:$0x1];
	p0 =	sne.s32 s2, $0x0  }
0xa9: {  	s3 =	rddreg [dreg:$0x2];
	[bflag:$0x3] =	sbarrier.arrive $0xFFFF;
	s2 =	simm.s32 @!p0 $0x1C03  }
0xaa: {  	[timem:s3], [sflag:s2] =	dma.local @!p0 [hbm:s0], s1  }
0xab: {  	s0 =	simm.s32 @!p0 $0x3  }
0xac: {  	_ =	swait.ge @!p0 [sflag:s0], s1  }
0xad: {  	s1 =	ssub.s32 @!p0 $0x0, s1;
	[sflag:s0] =	ssyncset.done @!p0 $0x0  }
0xae: {  	[sflag:s0] =	ssyncadd.s32 @!p0 s1  }
0xaf: {  	[bflag:$0x3] =	sbarrier.arrive $0xFFFF  }
0xb0: {  	_ =	shalt  }

</sc_bundles>
